<compile_context>
chip_gen: v7x
topology: tpu7x:2x2x1
jax: 0.10.2.dev20260603
libtpu: 0.0.44.dev20260713+nightly
codegen_flags: <defaults>
</compile_context>

<pallas_src>
import jax
import jax.numpy as jnp
from jax import lax
from jax.experimental import pallas as pl
from jax.experimental.pallas import tpu as pltpu
from jax.experimental.pallas import tpu_sc as plsc

_C = 10000
_FB = 10000


def _feat_concat(x, gen, N, GN, D):
    XB = N // _FB
    GB = GN // _FB

    def body(x_r, g_r, o_r):
        i = pl.program_id(0)

        @pl.when(i < XB)
        def _():
            o_r[...] = x_r[...]

        @pl.when(i >= XB)
        def _():
            o_r[...] = g_r[...]

    return pl.pallas_call(
        body,
        grid=(XB + GB,),
        in_specs=[
            pl.BlockSpec((_FB, D), lambda i: (jnp.where(i < XB, i, XB - 1), 0)),
            pl.BlockSpec((_FB, D), lambda i: (jnp.where(i < XB, 0, i - XB), 0)),
        ],
        out_specs=pl.BlockSpec((_FB, D), lambda i: (i, 0)),
        out_shape=jax.ShapeDtypeStruct((N + GN, D), jnp.float32),
    )(x, gen)


def kernel(x, edge_index, tails, gen_feat, num_pred):
    N, D = x.shape
    E = edge_index.shape[1]
    T = tails.shape[0]
    P = gen_feat.shape[0] // T
    G = T * P
    W = E + G

    info = plsc.get_sparse_core_info()
    NC, NS = info.num_cores, info.num_subcores
    NW = NC * NS

    CE = 2 * E // (NW * _C)
    GC = max(16, G // NW)
    while G % GC or GC % 16:
        GC += 1
    NACT = G // GC

    mesh = plsc.VectorSubcoreMesh(core_axis_name="c", subcore_axis_name="s")

    def body(edge_h, tails_h, edge_o,
             buf0, buf1, tails_v, rep_v, ids_v, si0, si1, so0, so1):
        bufs = [buf0, buf1]
        sin = [si0, si1]
        sout = [so0, so1]
        wid = lax.axis_index("s") * NC + lax.axis_index("c")

        offs = []
        for j in range(CE):
            o = (wid * CE + j) * _C
            offs.append((o, o + jnp.where(o < E, 0, G)))

        in_h = []
        for j, (so_, _) in enumerate(offs):
            in_h.append(pltpu.async_copy(
                edge_h.at[pl.ds(so_, _C)], bufs[j], sin[j]))

        @pl.when(wid < NACT)
        def _gen():
            pltpu.sync_copy(tails_h, tails_v)
            c0 = wid * GC
            iota = lax.iota(jnp.int32, 16)
            for j in range(GC // 16):
                k = iota + (c0 + j * 16)
                rep_v[pl.ds(j * 16, 16)] = plsc.load_gather(tails_v, [k // P])
                ids_v[pl.ds(j * 16, 16)] = k + N
            pltpu.sync_copy(rep_v, edge_o.at[pl.ds(E + c0, GC)])
            pltpu.sync_copy(ids_v, edge_o.at[pl.ds(W + E + c0, GC)])

        out_h = []
        for j, (_, do_) in enumerate(offs):
            in_h[j].wait()
            out_h.append(pltpu.async_copy(
                bufs[j], edge_o.at[pl.ds(do_, _C)], sout[j]))
        for h in out_h:
            h.wait()

    run = pl.kernel(
        body,
        out_type=[
            jax.ShapeDtypeStruct((2 * W,), jnp.int32),
        ],
        mesh=mesh,
        scratch_types=[
            pltpu.VMEM((_C,), jnp.int32),
            pltpu.VMEM((_C,), jnp.int32),
            pltpu.VMEM((T,), jnp.int32),
            pltpu.VMEM((GC,), jnp.int32),
            pltpu.VMEM((GC,), jnp.int32),
            pltpu.SemaphoreType.DMA,
            pltpu.SemaphoreType.DMA,
            pltpu.SemaphoreType.DMA,
            pltpu.SemaphoreType.DMA,
        ],
        compiler_params=pltpu.CompilerParams(needs_layout_passes=False),
    )

    (edge_flat,) = run(edge_index.reshape(-1), tails)
    new_feat = _feat_concat(
        x, gen_feat.astype(jnp.float32), N, gen_feat.shape[0], D)
    return (new_feat, edge_flat.reshape(2, W))

# --- scband reference (transcript-rebuilt; emitter-appended) ---
"""Pipeline reference for scband-add-neighbor-28836410425764 (READ-ONLY COPY).

The authoritative reference and input builder live on the scoring server;
editing this copy changes nothing except your own understanding.
"""

import jax, jax.numpy as jnp
import numpy as np


def setup_inputs(seed: int = 0) -> dict:
    key = jax.random.key(seed)
    k1, k2, k3, k4 = jax.random.split(key, 4)
    N, E, D, T, NUM_PRED = 10000, 320000, 128, 2000, 5
    x = jax.random.normal(k1, (N, D), dtype=jnp.float32)
    edge_index = jax.random.randint(k2, (2, E), 0, N, dtype=jnp.int32)
    tails = jax.random.randint(k3, (T,), 0, N, dtype=jnp.int32)
    gen_feat = jax.random.normal(k4, (T * NUM_PRED, D), dtype=jnp.float32)
    return {"x": x, "edge_index": edge_index, "tails": tails, "gen_feat": gen_feat, "num_pred": NUM_PRED}


def reference(x, edge_index, tails, gen_feat, num_pred):
    # Faithful translation of Add_Neighbor.forward (tensor branch):
    #   edge_1: each tail node repeated num_pred times
    #   edge_2: indices of freshly appended generated nodes
    #   new_edge = hstack(edge_index, [edge_1; edge_2])
    #   new_feat = vstack(x, gen_feat.view(-1, d).detach())
    N = x.shape[0]
    T = tails.shape[0]
    d = x.shape[1]
    num_pred_static = gen_feat.shape[0] // T
    edge_1 = jnp.repeat(tails, num_pred, total_repeat_length=T * num_pred_static)
    edge_2 = jnp.arange(N, N + T * num_pred_static, dtype=edge_index.dtype)
    edge_generate = jnp.stack([edge_1.astype(edge_index.dtype), edge_2], axis=0)
    new_edge = jnp.concatenate([edge_index, edge_generate], axis=1)
    gen = jax.lax.stop_gradient(gen_feat).reshape(-1, d)
    new_feat = jnp.concatenate([x, gen], axis=0).astype(jnp.float32)
    return (new_feat, new_edge)

if __name__ == "__main__":
    import jax
    _d = setup_inputs()
    print(jax.jit(kernel)(*tuple(_d.values())))

</pallas_src>

<mosaic_0001>
#map = affine_map<(d0, d1) -> (0)>
module attributes {stable_mosaic.version = 14 : i64} {
  func.func @body(%arg0: i32, %arg1: i32, %arg2: memref<640000xi32, #tpu.memory_space<hbm>>, %arg3: memref<2000xi32, #tpu.memory_space<hbm>>, %arg4: memref<660000xi32, #tpu.memory_space<hbm>>, %arg5: memref<10000xi32, #tpu.memory_space<vmem>>, %arg6: memref<10000xi32, #tpu.memory_space<vmem>>, %arg7: memref<2000xi32, #tpu.memory_space<vmem>>, %arg8: memref<400xi32, #tpu.memory_space<vmem>>, %arg9: memref<400xi32, #tpu.memory_space<vmem>>, %arg10: memref<!tpu.dma_semaphore, #tpu.memory_space<semaphore_mem>>, %arg11: memref<!tpu.dma_semaphore, #tpu.memory_space<semaphore_mem>>, %arg12: memref<!tpu.dma_semaphore, #tpu.memory_space<semaphore_mem>>, %arg13: memref<!tpu.dma_semaphore, #tpu.memory_space<semaphore_mem>>) attributes {dimension_semantics = [#tpu.dimension_semantics<core_parallel>, #tpu.dimension_semantics<subcore_parallel>], iteration_bounds = array<i64: 2, 16>, scalar_prefetch = 0 : i64, scratch_operands = 9 : i64, tpu.core_type = #tpu.core_type<sc_vector_subcore>, window_params = [{transform_indices = #map}, {transform_indices = #map}, {transform_indices = #map}]} {
    %mul3A = arith.constant 2 : i32
    %mul3A_0 = arith.muli %arg1, %mul3A : i32
    %add3A = arith.addi %mul3A_0, %arg0 : i32
    %mul3A_1 = arith.constant 2 : i32
    %mul3A_2 = arith.muli %add3A, %mul3A_1 : i32
    %add3A_3 = arith.constant 0 : i32
    %add3A_4 = arith.addi %mul3A_2, %add3A_3 : i32
    %mul3A_5 = arith.constant 10000 : i32
    %mul3A_6 = arith.muli %add3A_4, %mul3A_5 : i32
    %lt3A = arith.constant 320000 : i32
    %lt3A_7 = arith.cmpi slt, %mul3A_6, %lt3A : i32
    %jit3A = arith.constant 0 : i32
    %jit3A_8 = arith.constant 10000 : i32
    %select_n3A = arith.select %lt3A_7, %jit3A, %jit3A_8 : i32
    %add3A_9 = arith.addi %mul3A_6, %select_n3A : i32
    %mul3A_10 = arith.constant 2 : i32
    %mul3A_11 = arith.muli %add3A, %mul3A_10 : i32
    %add3A_12 = arith.constant 1 : i32
    %add3A_13 = arith.addi %mul3A_11, %add3A_12 : i32
    %mul3A_14 = arith.constant 10000 : i32
    %mul3A_15 = arith.muli %add3A_13, %mul3A_14 : i32
    %lt3A_16 = arith.constant 320000 : i32
    %lt3A_17 = arith.cmpi slt, %mul3A_15, %lt3A_16 : i32
    %jit3A_18 = arith.constant 0 : i32
    %jit3A_19 = arith.constant 10000 : i32
    %select_n3A_20 = arith.select %lt3A_17, %jit3A_18, %jit3A_19 : i32
    %add3A_21 = arith.addi %mul3A_15, %select_n3A_20 : i32
    %dma_start3A = tpu.memref_slice %arg2[%mul3A_6] : memref<640000xi32, #tpu.memory_space<hbm>> -> memref<10000xi32, #tpu.memory_space<hbm>>
    %dma_start3A_22 = tpu.memref_slice %arg2[%mul3A_6] : memref<640000xi32, #tpu.memory_space<hbm>> -> memref<10000xi32, #tpu.memory_space<hbm>>
    tpu.enqueue_dma source(%dma_start3A_22 : memref<10000xi32, #tpu.memory_space<hbm>>) target(%arg5 : memref<10000xi32, #tpu.memory_space<vmem>>) target_semaphore(%arg10 : memref<!tpu.dma_semaphore, #tpu.memory_space<semaphore_mem>>)
    %dma_start3A_23 = tpu.memref_slice %arg2[%mul3A_15] : memref<640000xi32, #tpu.memory_space<hbm>> -> memref<10000xi32, #tpu.memory_space<hbm>>
    %dma_start3A_24 = tpu.memref_slice %arg2[%mul3A_15] : memref<640000xi32, #tpu.memory_space<hbm>> -> memref<10000xi32, #tpu.memory_space<hbm>>
    tpu.enqueue_dma source(%dma_start3A_24 : memref<10000xi32, #tpu.memory_space<hbm>>) target(%arg6 : memref<10000xi32, #tpu.memory_space<vmem>>) target_semaphore(%arg11 : memref<!tpu.dma_semaphore, #tpu.memory_space<semaphore_mem>>)
    %lt3A_25 = arith.constant 25 : i32
    %lt3A_26 = arith.cmpi slt, %add3A, %lt3A_25 : i32
    %convert_element_type3A = arith.extui %lt3A_26 : i1 to i32
    %cond3A = arith.constant 0 : i32
    %cond3A_27 = arith.cmpi ne, %convert_element_type3A, %cond3A : i32
    scf.if %cond3A_27 {
      "tpu.region"() ({
        %run_scoped3A = tpu.sem_alloc : memref<!tpu.dma_semaphore, #tpu.memory_space<semaphore_mem>>
        tpu.enqueue_dma source(%arg3 : memref<2000xi32, #tpu.memory_space<hbm>>) target(%arg7 : memref<2000xi32, #tpu.memory_space<vmem>>) target_semaphore(%run_scoped3A : memref<!tpu.dma_semaphore, #tpu.memory_space<semaphore_mem>>)
        tpu.wait_dma2 semaphore(%run_scoped3A : memref<!tpu.dma_semaphore, #tpu.memory_space<semaphore_mem>>) src(%arg3 : memref<2000xi32, #tpu.memory_space<hbm>>) dst(%arg7 : memref<2000xi32, #tpu.memory_space<vmem>>)
        tpu.yield
      }) : () -> ()
      %mul3A_39 = arith.constant 400 : i32
      %mul3A_40 = arith.muli %add3A, %mul3A_39 : i32
      %iota3A = tpu.iota {dimensions = array<i32: 0>} : vector<16xi32>
      %add3A_41 = arith.constant 0 : i32
      %add3A_42 = arith.addi %mul3A_40, %add3A_41 : i32
      %add3A_43 = vector.broadcast %add3A_42 : i32 to vector<16xi32>
      %add3A_44 = arith.addi %iota3A, %add3A_43 : vector<16xi32>
      %jit3A_45 = arith.constant 5 : i32
      %div3A = vector.broadcast %jit3A_45 : i32 to vector<16xi32>
      %div3A_46 = arith.divsi %add3A_44, %div3A : vector<16xi32>
      %sign3A = arith.constant 0 : i32
      %sign3A_47 = vector.broadcast %sign3A : i32 to vector<16xi32>
      %sign3A_48 = arith.cmpi sgt, %add3A_44, %sign3A_47 : vector<16xi32>
      %sign3A_49 = arith.extui %sign3A_48 : vector<16xi1> to vector<16xi32>
      %sign3A_50 = arith.constant 0 : i32
      %sign3A_51 = vector.broadcast %sign3A_50 : i32 to vector<16xi32>
      %sign3A_52 = arith.cmpi slt, %add3A_44, %sign3A_51 : vector<16xi32>
      %sign3A_53 = arith.extui %sign3A_52 : vector<16xi1> to vector<16xi32>
      %sign3A_54 = arith.subi %sign3A_49, %sign3A_53 : vector<16xi32>
      %sign3A_55 = arith.constant 0 : i32
      %sign3A_56 = arith.cmpi sgt, %jit3A_45, %sign3A_55 : i32
      %sign3A_57 = arith.extui %sign3A_56 : i1 to i32
      %sign3A_58 = arith.constant 0 : i32
      %sign3A_59 = arith.cmpi slt, %jit3A_45, %sign3A_58 : i32
      %sign3A_60 = arith.extui %sign3A_59 : i1 to i32
      %sign3A_61 = arith.subi %sign3A_57, %sign3A_60 : i32
      %ne3A = vector.broadcast %sign3A_61 : i32 to vector<16xi32>
      %ne3A_62 = arith.cmpi ne, %sign3A_54, %ne3A : vector<16xi32>
      %rem3A = vector.broadcast %jit3A_45 : i32 to vector<16xi32>
      %rem3A_63 = arith.remsi %add3A_44, %rem3A : vector<16xi32>
      %ne3A_64 = arith.constant 0 : i32
      %ne3A_65 = vector.broadcast %ne3A_64 : i32 to vector<16xi32>
      %ne3A_66 = arith.cmpi ne, %rem3A_63, %ne3A_65 : vector<16xi32>
      %and3A = arith.andi %ne3A_62, %ne3A_66 : vector<16xi1>
      %sub3A = arith.constant 1 : i32
      %sub3A_67 = vector.broadcast %sub3A : i32 to vector<16xi32>
      %sub3A_68 = arith.subi %div3A_46, %sub3A_67 : vector<16xi32>
      %select_n3A_69 = arith.select %and3A, %sub3A_68, %div3A_46 : vector<16xi1>, vector<16xi32>
      %gather3A = tpu.vector_load_idx %arg7[%select_n3A_69] : memref<2000xi32, #tpu.memory_space<vmem>>[vector<16xi32>], vector<16xi32>,
      %swap3A = arith.constant 0 : index
      %swap3A_70 = tpu.vector_load %arg8[%swap3A] {strides = array<i32>} : memref<400xi32, #tpu.memory_space<vmem>>, vector<16xi32>,
      tpu.vector_store %arg8[%swap3A], %gather3A {strides = array<i32>} : memref<400xi32, #tpu.memory_space<vmem>>, vector<16xi32>,
      %add3A_71 = arith.constant 10000 : i32
      %add3A_72 = vector.broadcast %add3A_71 : i32 to vector<16xi32>
      %add3A_73 = arith.addi %add3A_44, %add3A_72 : vector<16xi32>
      %swap3A_74 = arith.constant 0 : index
      %swap3A_75 = tpu.vector_load %arg9[%swap3A_74] {strides = array<i32>} : memref<400xi32, #tpu.memory_space<vmem>>, vector<16xi32>,
      tpu.vector_store %arg9[%swap3A_74], %add3A_73 {strides = array<i32>} : memref<400xi32, #tpu.memory_space<vmem>>, vector<16xi32>,
      %add3A_76 = arith.constant 16 : i32
      %add3A_77 = arith.addi %mul3A_40, %add3A_76 : i32
      %add3A_78 = vector.broadcast %add3A_77 : i32 to vector<16xi32>
      %add3A_79 = arith.addi %iota3A, %add3A_78 : vector<16xi32>
      %jit3A_80 = arith.constant 5 : i32
      %div3A_81 = vector.broadcast %jit3A_80 : i32 to vector<16xi32>
      %div3A_82 = arith.divsi %add3A_79, %div3A_81 : vector<16xi32>
      %sign3A_83 = arith.constant 0 : i32
      %sign3A_84 = vector.broadcast %sign3A_83 : i32 to vector<16xi32>
      %sign3A_85 = arith.cmpi sgt, %add3A_79, %sign3A_84 : vector<16xi32>
      %sign3A_86 = arith.extui %sign3A_85 : vector<16xi1> to vector<16xi32>
      %sign3A_87 = arith.constant 0 : i32
      %sign3A_88 = vector.broadcast %sign3A_87 : i32 to vector<16xi32>
      %sign3A_89 = arith.cmpi slt, %add3A_79, %sign3A_88 : vector<16xi32>
      %sign3A_90 = arith.extui %sign3A_89 : vector<16xi1> to vector<16xi32>
      %sign3A_91 = arith.subi %sign3A_86, %sign3A_90 : vector<16xi32>
      %sign3A_92 = arith.constant 0 : i32
      %sign3A_93 = arith.cmpi sgt, %jit3A_80, %sign3A_92 : i32
      %sign3A_94 = arith.extui %sign3A_93 : i1 to i32
      %sign3A_95 = arith.constant 0 : i32
      %sign3A_96 = arith.cmpi slt, %jit3A_80, %sign3A_95 : i32
      %sign3A_97 = arith.extui %sign3A_96 : i1 to i32
      %sign3A_98 = arith.subi %sign3A_94, %sign3A_97 : i32
      %ne3A_99 = vector.broadcast %sign3A_98 : i32 to vector<16xi32>
      %ne3A_100 = arith.cmpi ne, %sign3A_91, %ne3A_99 : vector<16xi32>
      %rem3A_101 = vector.broadcast %jit3A_80 : i32 to vector<16xi32>
      %rem3A_102 = arith.remsi %add3A_79, %rem3A_101 : vector<16xi32>
      %ne3A_103 = arith.constant 0 : i32
      %ne3A_104 = vector.broadcast %ne3A_103 : i32 to vector<16xi32>
      %ne3A_105 = arith.cmpi ne, %rem3A_102, %ne3A_104 : vector<16xi32>
      %and3A_106 = arith.andi %ne3A_100, %ne3A_105 : vector<16xi1>
      %sub3A_107 = arith.constant 1 : i32
      %sub3A_108 = vector.broadcast %sub3A_107 : i32 to vector<16xi32>
      %sub3A_109 = arith.subi %div3A_82, %sub3A_108 : vector<16xi32>
      %select_n3A_110 = arith.select %and3A_106, %sub3A_109, %div3A_82 : vector<16xi1>, vector<16xi32>
      %gather3A_111 = tpu.vector_load_idx %arg7[%select_n3A_110] : memref<2000xi32, #tpu.memory_space<vmem>>[vector<16xi32>], vector<16xi32>,
      %swap3A_112 = arith.constant 16 : index
      %swap3A_113 = tpu.vector_load %arg8[%swap3A_112] {strides = array<i32>} : memref<400xi32, #tpu.memory_space<vmem>>, vector<16xi32>,
      tpu.vector_store %arg8[%swap3A_112], %gather3A_111 {strides = array<i32>} : memref<400xi32, #tpu.memory_space<vmem>>, vector<16xi32>,
      %add3A_114 = arith.constant 10000 : i32
      %add3A_115 = vector.broadcast %add3A_114 : i32 to vector<16xi32>
      %add3A_116 = arith.addi %add3A_79, %add3A_115 : vector<16xi32>
      %swap3A_117 = arith.constant 16 : index
      %swap3A_118 = tpu.vector_load %arg9[%swap3A_117] {strides = array<i32>} : memref<400xi32, #tpu.memory_space<vmem>>, vector<16xi32>,
      tpu.vector_store %arg9[%swap3A_117], %add3A_116 {strides = array<i32>} : memref<400xi32, #tpu.memory_space<vmem>>, vector<16xi32>,
      %add3A_119 = arith.constant 32 : i32
      %add3A_120 = arith.addi %mul3A_40, %add3A_119 : i32
      %add3A_121 = vector.broadcast %add3A_120 : i32 to vector<16xi32>
      %add3A_122 = arith.addi %iota3A, %add3A_121 : vector<16xi32>
      %jit3A_123 = arith.constant 5 : i32
      %div3A_124 = vector.broadcast %jit3A_123 : i32 to vector<16xi32>
      %div3A_125 = arith.divsi %add3A_122, %div3A_124 : vector<16xi32>
      %sign3A_126 = arith.constant 0 : i32
      %sign3A_127 = vector.broadcast %sign3A_126 : i32 to vector<16xi32>
      %sign3A_128 = arith.cmpi sgt, %add3A_122, %sign3A_127 : vector<16xi32>
      %sign3A_129 = arith.extui %sign3A_128 : vector<16xi1> to vector<16xi32>
      %sign3A_130 = arith.constant 0 : i32
      %sign3A_131 = vector.broadcast %sign3A_130 : i32 to vector<16xi32>
      %sign3A_132 = arith.cmpi slt, %add3A_122, %sign3A_131 : vector<16xi32>
      %sign3A_133 = arith.extui %sign3A_132 : vector<16xi1> to vector<16xi32>
      %sign3A_134 = arith.subi %sign3A_129, %sign3A_133 : vector<16xi32>
      %sign3A_135 = arith.constant 0 : i32
      %sign3A_136 = arith.cmpi sgt, %jit3A_123, %sign3A_135 : i32
      %sign3A_137 = arith.extui %sign3A_136 : i1 to i32
      %sign3A_138 = arith.constant 0 : i32
      %sign3A_139 = arith.cmpi slt, %jit3A_123, %sign3A_138 : i32
      %sign3A_140 = arith.extui %sign3A_139 : i1 to i32
      %sign3A_141 = arith.subi %sign3A_137, %sign3A_140 : i32
      %ne3A_142 = vector.broadcast %sign3A_141 : i32 to vector<16xi32>
      %ne3A_143 = arith.cmpi ne, %sign3A_134, %ne3A_142 : vector<16xi32>
      %rem3A_144 = vector.broadcast %jit3A_123 : i32 to vector<16xi32>
      %rem3A_145 = arith.remsi %add3A_122, %rem3A_144 : vector<16xi32>
      %ne3A_146 = arith.constant 0 : i32
      %ne3A_147 = vector.broadcast %ne3A_146 : i32 to vector<16xi32>
      %ne3A_148 = arith.cmpi ne, %rem3A_145, %ne3A_147 : vector<16xi32>
      %and3A_149 = arith.andi %ne3A_143, %ne3A_148 : vector<16xi1>
      %sub3A_150 = arith.constant 1 : i32
      %sub3A_151 = vector.broadcast %sub3A_150 : i32 to vector<16xi32>
      %sub3A_152 = arith.subi %div3A_125, %sub3A_151 : vector<16xi32>
      %select_n3A_153 = arith.select %and3A_149, %sub3A_152, %div3A_125 : vector<16xi1>, vector<16xi32>
      %gather3A_154 = tpu.vector_load_idx %arg7[%select_n3A_153] : memref<2000xi32, #tpu.memory_space<vmem>>[vector<16xi32>], vector<16xi32>,
      %swap3A_155 = arith.constant 32 : index
      %swap3A_156 = tpu.vector_load %arg8[%swap3A_155] {strides = array<i32>} : memref<400xi32, #tpu.memory_space<vmem>>, vector<16xi32>,
      tpu.vector_store %arg8[%swap3A_155], %gather3A_154 {strides = array<i32>} : memref<400xi32, #tpu.memory_space<vmem>>, vector<16xi32>,
      %add3A_157 = arith.constant 10000 : i32
      %add3A_158 = vector.broadcast %add3A_157 : i32 to vector<16xi32>
      %add3A_159 = arith.addi %add3A_122, %add3A_158 : vector<16xi32>
      %swap3A_160 = arith.constant 32 : index
      %swap3A_161 = tpu.vector_load %arg9[%swap3A_160] {strides = array<i32>} : memref<400xi32, #tpu.memory_space<vmem>>, vector<16xi32>,
      tpu.vector_store %arg9[%swap3A_160], %add3A_159 {strides = array<i32>} : memref<400xi32, #tpu.memory_space<vmem>>, vector<16xi32>,
      %add3A_162 = arith.constant 48 : i32
      %add3A_163 = arith.addi %mul3A_40, %add3A_162 : i32
      %add3A_164 = vector.broadcast %add3A_163 : i32 to vector<16xi32>
      %add3A_165 = arith.addi %iota3A, %add3A_164 : vector<16xi32>
      %jit3A_166 = arith.constant 5 : i32
      %div3A_167 = vector.broadcast %jit3A_166 : i32 to vector<16xi32>
      %div3A_168 = arith.divsi %add3A_165, %div3A_167 : vector<16xi32>
      %sign3A_169 = arith.constant 0 : i32
      %sign3A_170 = vector.broadcast %sign3A_169 : i32 to vector<16xi32>
      %sign3A_171 = arith.cmpi sgt, %add3A_165, %sign3A_170 : vector<16xi32>
      %sign3A_172 = arith.extui %sign3A_171 : vector<16xi1> to vector<16xi32>
      %sign3A_173 = arith.constant 0 : i32
      %sign3A_174 = vector.broadcast %sign3A_173 : i32 to vector<16xi32>
      %sign3A_175 = arith.cmpi slt, %add3A_165, %sign3A_174 : vector<16xi32>
      %sign3A_176 = arith.extui %sign3A_175 : vector<16xi1> to vector<16xi32>
      %sign3A_177 = arith.subi %sign3A_172, %sign3A_176 : vector<16xi32>
      %sign3A_178 = arith.constant 0 : i32
      %sign3A_179 = arith.cmpi sgt, %jit3A_166, %sign3A_178 : i32
      %sign3A_180 = arith.extui %sign3A_179 : i1 to i32
      %sign3A_181 = arith.constant 0 : i32
      %sign3A_182 = arith.cmpi slt, %jit3A_166, %sign3A_181 : i32
      %sign3A_183 = arith.extui %sign3A_182 : i1 to i32
      %sign3A_184 = arith.subi %sign3A_180, %sign3A_183 : i32
      %ne3A_185 = vector.broadcast %sign3A_184 : i32 to vector<16xi32>
      %ne3A_186 = arith.cmpi ne, %sign3A_177, %ne3A_185 : vector<16xi32>
      %rem3A_187 = vector.broadcast %jit3A_166 : i32 to vector<16xi32>
      %rem3A_188 = arith.remsi %add3A_165, %rem3A_187 : vector<16xi32>
      %ne3A_189 = arith.constant 0 : i32
      %ne3A_190 = vector.broadcast %ne3A_189 : i32 to vector<16xi32>
      %ne3A_191 = arith.cmpi ne, %rem3A_188, %ne3A_190 : vector<16xi32>
      %and3A_192 = arith.andi %ne3A_186, %ne3A_191 : vector<16xi1>
      %sub3A_193 = arith.constant 1 : i32
      %sub3A_194 = vector.broadcast %sub3A_193 : i32 to vector<16xi32>
      %sub3A_195 = arith.subi %div3A_168, %sub3A_194 : vector<16xi32>
      %select_n3A_196 = arith.select %and3A_192, %sub3A_195, %div3A_168 : vector<16xi1>, vector<16xi32>
      %gather3A_197 = tpu.vector_load_idx %arg7[%select_n3A_196] : memref<2000xi32, #tpu.memory_space<vmem>>[vector<16xi32>], vector<16xi32>,
      %swap3A_198 = arith.constant 48 : index
      %swap3A_199 = tpu.vector_load %arg8[%swap3A_198] {strides = array<i32>} : memref<400xi32, #tpu.memory_space<vmem>>, vector<16xi32>,
      tpu.vector_store %arg8[%swap3A_198], %gather3A_197 {strides = array<i32>} : memref<400xi32, #tpu.memory_space<vmem>>, vector<16xi32>,
      %add3A_200 = arith.constant 10000 : i32
      %add3A_201 = vector.broadcast %add3A_200 : i32 to vector<16xi32>
      %add3A_202 = arith.addi %add3A_165, %add3A_201 : vector<16xi32>
      %swap3A_203 = arith.constant 48 : index
      %swap3A_204 = tpu.vector_load %arg9[%swap3A_203] {strides = array<i32>} : memref<400xi32, #tpu.memory_space<vmem>>, vector<16xi32>,
      tpu.vector_store %arg9[%swap3A_203], %add3A_202 {strides = array<i32>} : memref<400xi32, #tpu.memory_space<vmem>>, vector<16xi32>,
      %add3A_205 = arith.constant 64 : i32
      %add3A_206 = arith.addi %mul3A_40, %add3A_205 : i32
      %add3A_207 = vector.broadcast %add3A_206 : i32 to vector<16xi32>
      %add3A_208 = arith.addi %iota3A, %add3A_207 : vector<16xi32>
      %jit3A_209 = arith.constant 5 : i32
      %div3A_210 = vector.broadcast %jit3A_209 : i32 to vector<16xi32>
      %div3A_211 = arith.divsi %add3A_208, %div3A_210 : vector<16xi32>
      %sign3A_212 = arith.constant 0 : i32
      %sign3A_213 = vector.broadcast %sign3A_212 : i32 to vector<16xi32>
      %sign3A_214 = arith.cmpi sgt, %add3A_208, %sign3A_213 : vector<16xi32>
      %sign3A_215 = arith.extui %sign3A_214 : vector<16xi1> to vector<16xi32>
      %sign3A_216 = arith.constant 0 : i32
      %sign3A_217 = vector.broadcast %sign3A_216 : i32 to vector<16xi32>
      %sign3A_218 = arith.cmpi slt, %add3A_208, %sign3A_217 : vector<16xi32>
      %sign3A_219 = arith.extui %sign3A_218 : vector<16xi1> to vector<16xi32>
      %sign3A_220 = arith.subi %sign3A_215, %sign3A_219 : vector<16xi32>
      %sign3A_221 = arith.constant 0 : i32
      %sign3A_222 = arith.cmpi sgt, %jit3A_209, %sign3A_221 : i32
      %sign3A_223 = arith.extui %sign3A_222 : i1 to i32
      %sign3A_224 = arith.constant 0 : i32
      %sign3A_225 = arith.cmpi slt, %jit3A_209, %sign3A_224 : i32
      %sign3A_226 = arith.extui %sign3A_225 : i1 to i32
      %sign3A_227 = arith.subi %sign3A_223, %sign3A_226 : i32
      %ne3A_228 = vector.broadcast %sign3A_227 : i32 to vector<16xi32>
      %ne3A_229 = arith.cmpi ne, %sign3A_220, %ne3A_228 : vector<16xi32>
      %rem3A_230 = vector.broadcast %jit3A_209 : i32 to vector<16xi32>
      %rem3A_231 = arith.remsi %add3A_208, %rem3A_230 : vector<16xi32>
      %ne3A_232 = arith.constant 0 : i32
      %ne3A_233 = vector.broadcast %ne3A_232 : i32 to vector<16xi32>
      %ne3A_234 = arith.cmpi ne, %rem3A_231, %ne3A_233 : vector<16xi32>
      %and3A_235 = arith.andi %ne3A_229, %ne3A_234 : vector<16xi1>
      %sub3A_236 = arith.constant 1 : i32
      %sub3A_237 = vector.broadcast %sub3A_236 : i32 to vector<16xi32>
      %sub3A_238 = arith.subi %div3A_211, %sub3A_237 : vector<16xi32>
      %select_n3A_239 = arith.select %and3A_235, %sub3A_238, %div3A_211 : vector<16xi1>, vector<16xi32>
      %gather3A_240 = tpu.vector_load_idx %arg7[%select_n3A_239] : memref<2000xi32, #tpu.memory_space<vmem>>[vector<16xi32>], vector<16xi32>,
      %swap3A_241 = arith.constant 64 : index
      %swap3A_242 = tpu.vector_load %arg8[%swap3A_241] {strides = array<i32>} : memref<400xi32, #tpu.memory_space<vmem>>, vector<16xi32>,
      tpu.vector_store %arg8[%swap3A_241], %gather3A_240 {strides = array<i32>} : memref<400xi32, #tpu.memory_space<vmem>>, vector<16xi32>,
      %add3A_243 = arith.constant 10000 : i32
      %add3A_244 = vector.broadcast %add3A_243 : i32 to vector<16xi32>
      %add3A_245 = arith.addi %add3A_208, %add3A_244 : vector<16xi32>
      %swap3A_246 = arith.constant 64 : index
      %swap3A_247 = tpu.vector_load %arg9[%swap3A_246] {strides = array<i32>} : memref<400xi32, #tpu.memory_space<vmem>>, vector<16xi32>,
      tpu.vector_store %arg9[%swap3A_246], %add3A_245 {strides = array<i32>} : memref<400xi32, #tpu.memory_space<vmem>>, vector<16xi32>,
      %add3A_248 = arith.constant 80 : i32
      %add3A_249 = arith.addi %mul3A_40, %add3A_248 : i32
      %add3A_250 = vector.broadcast %add3A_249 : i32 to vector<16xi32>
      %add3A_251 = arith.addi %iota3A, %add3A_250 : vector<16xi32>
      %jit3A_252 = arith.constant 5 : i32
      %div3A_253 = vector.broadcast %jit3A_252 : i32 to vector<16xi32>
      %div3A_254 = arith.divsi %add3A_251, %div3A_253 : vector<16xi32>
      %sign3A_255 = arith.constant 0 : i32
      %sign3A_256 = vector.broadcast %sign3A_255 : i32 to vector<16xi32>
      %sign3A_257 = arith.cmpi sgt, %add3A_251, %sign3A_256 : vector<16xi32>
      %sign3A_258 = arith.extui %sign3A_257 : vector<16xi1> to vector<16xi32>
      %sign3A_259 = arith.constant 0 : i32
      %sign3A_260 = vector.broadcast %sign3A_259 : i32 to vector<16xi32>
      %sign3A_261 = arith.cmpi slt, %add3A_251, %sign3A_260 : vector<16xi32>
      %sign3A_262 = arith.extui %sign3A_261 : vector<16xi1> to vector<16xi32>
      %sign3A_263 = arith.subi %sign3A_258, %sign3A_262 : vector<16xi32>
      %sign3A_264 = arith.constant 0 : i32
      %sign3A_265 = arith.cmpi sgt, %jit3A_252, %sign3A_264 : i32
      %sign3A_266 = arith.extui %sign3A_265 : i1 to i32
      %sign3A_267 = arith.constant 0 : i32
      %sign3A_268 = arith.cmpi slt, %jit3A_252, %sign3A_267 : i32
      %sign3A_269 = arith.extui %sign3A_268 : i1 to i32
      %sign3A_270 = arith.subi %sign3A_266, %sign3A_269 : i32
      %ne3A_271 = vector.broadcast %sign3A_270 : i32 to vector<16xi32>
      %ne3A_272 = arith.cmpi ne, %sign3A_263, %ne3A_271 : vector<16xi32>
      %rem3A_273 = vector.broadcast %jit3A_252 : i32 to vector<16xi32>
      %rem3A_274 = arith.remsi %add3A_251, %rem3A_273 : vector<16xi32>
      %ne3A_275 = arith.constant 0 : i32
      %ne3A_276 = vector.broadcast %ne3A_275 : i32 to vector<16xi32>
      %ne3A_277 = arith.cmpi ne, %rem3A_274, %ne3A_276 : vector<16xi32>
      %and3A_278 = arith.andi %ne3A_272, %ne3A_277 : vector<16xi1>
      %sub3A_279 = arith.constant 1 : i32
      %sub3A_280 = vector.broadcast %sub3A_279 : i32 to vector<16xi32>
      %sub3A_281 = arith.subi %div3A_254, %sub3A_280 : vector<16xi32>
      %select_n3A_282 = arith.select %and3A_278, %sub3A_281, %div3A_254 : vector<16xi1>, vector<16xi32>
      %gather3A_283 = tpu.vector_load_idx %arg7[%select_n3A_282] : memref<2000xi32, #tpu.memory_space<vmem>>[vector<16xi32>], vector<16xi32>,
      %swap3A_284 = arith.constant 80 : index
      %swap3A_285 = tpu.vector_load %arg8[%swap3A_284] {strides = array<i32>} : memref<400xi32, #tpu.memory_space<vmem>>, vector<16xi32>,
      tpu.vector_store %arg8[%swap3A_284], %gather3A_283 {strides = array<i32>} : memref<400xi32, #tpu.memory_space<vmem>>, vector<16xi32>,
      %add3A_286 = arith.constant 10000 : i32
      %add3A_287 = vector.broadcast %add3A_286 : i32 to vector<16xi32>
      %add3A_288 = arith.addi %add3A_251, %add3A_287 : vector<16xi32>
      %swap3A_289 = arith.constant 80 : index
      %swap3A_290 = tpu.vector_load %arg9[%swap3A_289] {strides = array<i32>} : memref<400xi32, #tpu.memory_space<vmem>>, vector<16xi32>,
      tpu.vector_store %arg9[%swap3A_289], %add3A_288 {strides = array<i32>} : memref<400xi32, #tpu.memory_space<vmem>>, vector<16xi32>,
      %add3A_291 = arith.constant 96 : i32
      %add3A_292 = arith.addi %mul3A_40, %add3A_291 : i32
      %add3A_293 = vector.broadcast %add3A_292 : i32 to vector<16xi32>
      %add3A_294 = arith.addi %iota3A, %add3A_293 : vector<16xi32>
      %jit3A_295 = arith.constant 5 : i32
      %div3A_296 = vector.broadcast %jit3A_295 : i32 to vector<16xi32>
      %div3A_297 = arith.divsi %add3A_294, %div3A_296 : vector<16xi32>
      %sign3A_298 = arith.constant 0 : i32
      %sign3A_299 = vector.broadcast %sign3A_298 : i32 to vector<16xi32>
      %sign3A_300 = arith.cmpi sgt, %add3A_294, %sign3A_299 : vector<16xi32>
      %sign3A_301 = arith.extui %sign3A_300 : vector<16xi1> to vector<16xi32>
      %sign3A_302 = arith.constant 0 : i32
      %sign3A_303 = vector.broadcast %sign3A_302 : i32 to vector<16xi32>
      %sign3A_304 = arith.cmpi slt, %add3A_294, %sign3A_303 : vector<16xi32>
      %sign3A_305 = arith.extui %sign3A_304 : vector<16xi1> to vector<16xi32>
      %sign3A_306 = arith.subi %sign3A_301, %sign3A_305 : vector<16xi32>
      %sign3A_307 = arith.constant 0 : i32
      %sign3A_308 = arith.cmpi sgt, %jit3A_295, %sign3A_307 : i32
      %sign3A_309 = arith.extui %sign3A_308 : i1 to i32
      %sign3A_310 = arith.constant 0 : i32
      %sign3A_311 = arith.cmpi slt, %jit3A_295, %sign3A_310 : i32
      %sign3A_312 = arith.extui %sign3A_311 : i1 to i32
      %sign3A_313 = arith.subi %sign3A_309, %sign3A_312 : i32
      %ne3A_314 = vector.broadcast %sign3A_313 : i32 to vector<16xi32>
      %ne3A_315 = arith.cmpi ne, %sign3A_306, %ne3A_314 : vector<16xi32>
      %rem3A_316 = vector.broadcast %jit3A_295 : i32 to vector<16xi32>
      %rem3A_317 = arith.remsi %add3A_294, %rem3A_316 : vector<16xi32>
      %ne3A_318 = arith.constant 0 : i32
      %ne3A_319 = vector.broadcast %ne3A_318 : i32 to vector<16xi32>
      %ne3A_320 = arith.cmpi ne, %rem3A_317, %ne3A_319 : vector<16xi32>
      %and3A_321 = arith.andi %ne3A_315, %ne3A_320 : vector<16xi1>
      %sub3A_322 = arith.constant 1 : i32
      %sub3A_323 = vector.broadcast %sub3A_322 : i32 to vector<16xi32>
      %sub3A_324 = arith.subi %div3A_297, %sub3A_323 : vector<16xi32>
      %select_n3A_325 = arith.select %and3A_321, %sub3A_324, %div3A_297 : vector<16xi1>, vector<16xi32>
      %gather3A_326 = tpu.vector_load_idx %arg7[%select_n3A_325] : memref<2000xi32, #tpu.memory_space<vmem>>[vector<16xi32>], vector<16xi32>,
      %swap3A_327 = arith.constant 96 : index
      %swap3A_328 = tpu.vector_load %arg8[%swap3A_327] {strides = array<i32>} : memref<400xi32, #tpu.memory_space<vmem>>, vector<16xi32>,
      tpu.vector_store %arg8[%swap3A_327], %gather3A_326 {strides = array<i32>} : memref<400xi32, #tpu.memory_space<vmem>>, vector<16xi32>,
      %add3A_329 = arith.constant 10000 : i32
      %add3A_330 = vector.broadcast %add3A_329 : i32 to vector<16xi32>
      %add3A_331 = arith.addi %add3A_294, %add3A_330 : vector<16xi32>
      %swap3A_332 = arith.constant 96 : index
      %swap3A_333 = tpu.vector_load %arg9[%swap3A_332] {strides = array<i32>} : memref<400xi32, #tpu.memory_space<vmem>>, vector<16xi32>,
      tpu.vector_store %arg9[%swap3A_332], %add3A_331 {strides = array<i32>} : memref<400xi32, #tpu.memory_space<vmem>>, vector<16xi32>,
      %add3A_334 = arith.constant 112 : i32
      %add3A_335 = arith.addi %mul3A_40, %add3A_334 : i32
      %add3A_336 = vector.broadcast %add3A_335 : i32 to vector<16xi32>
      %add3A_337 = arith.addi %iota3A, %add3A_336 : vector<16xi32>
      %jit3A_338 = arith.constant 5 : i32
      %div3A_339 = vector.broadcast %jit3A_338 : i32 to vector<16xi32>
      %div3A_340 = arith.divsi %add3A_337, %div3A_339 : vector<16xi32>
      %sign3A_341 = arith.constant 0 : i32
      %sign3A_342 = vector.broadcast %sign3A_341 : i32 to vector<16xi32>
      %sign3A_343 = arith.cmpi sgt, %add3A_337, %sign3A_342 : vector<16xi32>
      %sign3A_344 = arith.extui %sign3A_343 : vector<16xi1> to vector<16xi32>
      %sign3A_345 = arith.constant 0 : i32
      %sign3A_346 = vector.broadcast %sign3A_345 : i32 to vector<16xi32>
      %sign3A_347 = arith.cmpi slt, %add3A_337, %sign3A_346 : vector<16xi32>
      %sign3A_348 = arith.extui %sign3A_347 : vector<16xi1> to vector<16xi32>
      %sign3A_349 = arith.subi %sign3A_344, %sign3A_348 : vector<16xi32>
      %sign3A_350 = arith.constant 0 : i32
      %sign3A_351 = arith.cmpi sgt, %jit3A_338, %sign3A_350 : i32
      %sign3A_352 = arith.extui %sign3A_351 : i1 to i32
      %sign3A_353 = arith.constant 0 : i32
      %sign3A_354 = arith.cmpi slt, %jit3A_338, %sign3A_353 : i32
      %sign3A_355 = arith.extui %sign3A_354 : i1 to i32
      %sign3A_356 = arith.subi %sign3A_352, %sign3A_355 : i32
      %ne3A_357 = vector.broadcast %sign3A_356 : i32 to vector<16xi32>
      %ne3A_358 = arith.cmpi ne, %sign3A_349, %ne3A_357 : vector<16xi32>
      %rem3A_359 = vector.broadcast %jit3A_338 : i32 to vector<16xi32>
      %rem3A_360 = arith.remsi %add3A_337, %rem3A_359 : vector<16xi32>
      %ne3A_361 = arith.constant 0 : i32
      %ne3A_362 = vector.broadcast %ne3A_361 : i32 to vector<16xi32>
      %ne3A_363 = arith.cmpi ne, %rem3A_360, %ne3A_362 : vector<16xi32>
      %and3A_364 = arith.andi %ne3A_358, %ne3A_363 : vector<16xi1>
      %sub3A_365 = arith.constant 1 : i32
      %sub3A_366 = vector.broadcast %sub3A_365 : i32 to vector<16xi32>
      %sub3A_367 = arith.subi %div3A_340, %sub3A_366 : vector<16xi32>
      %select_n3A_368 = arith.select %and3A_364, %sub3A_367, %div3A_340 : vector<16xi1>, vector<16xi32>
      %gather3A_369 = tpu.vector_load_idx %arg7[%select_n3A_368] : memref<2000xi32, #tpu.memory_space<vmem>>[vector<16xi32>], vector<16xi32>,
      %swap3A_370 = arith.constant 112 : index
      %swap3A_371 = tpu.vector_load %arg8[%swap3A_370] {strides = array<i32>} : memref<400xi32, #tpu.memory_space<vmem>>, vector<16xi32>,
      tpu.vector_store %arg8[%swap3A_370], %gather3A_369 {strides = array<i32>} : memref<400xi32, #tpu.memory_space<vmem>>, vector<16xi32>,
      %add3A_372 = arith.constant 10000 : i32
      %add3A_373 = vector.broadcast %add3A_372 : i32 to vector<16xi32>
      %add3A_374 = arith.addi %add3A_337, %add3A_373 : vector<16xi32>
      %swap3A_375 = arith.constant 112 : index
      %swap3A_376 = tpu.vector_load %arg9[%swap3A_375] {strides = array<i32>} : memref<400xi32, #tpu.memory_space<vmem>>, vector<16xi32>,
      tpu.vector_store %arg9[%swap3A_375], %add3A_374 {strides = array<i32>} : memref<400xi32, #tpu.memory_space<vmem>>, vector<16xi32>,
      %add3A_377 = arith.constant 128 : i32
      %add3A_378 = arith.addi %mul3A_40, %add3A_377 : i32
      %add3A_379 = vector.broadcast %add3A_378 : i32 to vector<16xi32>
      %add3A_380 = arith.addi %iota3A, %add3A_379 : vector<16xi32>
      %jit3A_381 = arith.constant 5 : i32
      %div3A_382 = vector.broadcast %jit3A_381 : i32 to vector<16xi32>
      %div3A_383 = arith.divsi %add3A_380, %div3A_382 : vector<16xi32>
      %sign3A_384 = arith.constant 0 : i32
      %sign3A_385 = vector.broadcast %sign3A_384 : i32 to vector<16xi32>
      %sign3A_386 = arith.cmpi sgt, %add3A_380, %sign3A_385 : vector<16xi32>
      %sign3A_387 = arith.extui %sign3A_386 : vector<16xi1> to vector<16xi32>
      %sign3A_388 = arith.constant 0 : i32
      %sign3A_389 = vector.broadcast %sign3A_388 : i32 to vector<16xi32>
      %sign3A_390 = arith.cmpi slt, %add3A_380, %sign3A_389 : vector<16xi32>
      %sign3A_391 = arith.extui %sign3A_390 : vector<16xi1> to vector<16xi32>
      %sign3A_392 = arith.subi %sign3A_387, %sign3A_391 : vector<16xi32>
      %sign3A_393 = arith.constant 0 : i32
      %sign3A_394 = arith.cmpi sgt, %jit3A_381, %sign3A_393 : i32
      %sign3A_395 = arith.extui %sign3A_394 : i1 to i32
      %sign3A_396 = arith.constant 0 : i32
      %sign3A_397 = arith.cmpi slt, %jit3A_381, %sign3A_396 : i32
      %sign3A_398 = arith.extui %sign3A_397 : i1 to i32
      %sign3A_399 = arith.subi %sign3A_395, %sign3A_398 : i32
      %ne3A_400 = vector.broadcast %sign3A_399 : i32 to vector<16xi32>
      %ne3A_401 = arith.cmpi ne, %sign3A_392, %ne3A_400 : vector<16xi32>
      %rem3A_402 = vector.broadcast %jit3A_381 : i32 to vector<16xi32>
      %rem3A_403 = arith.remsi %add3A_380, %rem3A_402 : vector<16xi32>
      %ne3A_404 = arith.constant 0 : i32
      %ne3A_405 = vector.broadcast %ne3A_404 : i32 to vector<16xi32>
      %ne3A_406 = arith.cmpi ne, %rem3A_403, %ne3A_405 : vector<16xi32>
      %and3A_407 = arith.andi %ne3A_401, %ne3A_406 : vector<16xi1>
      %sub3A_408 = arith.constant 1 : i32
      %sub3A_409 = vector.broadcast %sub3A_408 : i32 to vector<16xi32>
      %sub3A_410 = arith.subi %div3A_383, %sub3A_409 : vector<16xi32>
      %select_n3A_411 = arith.select %and3A_407, %sub3A_410, %div3A_383 : vector<16xi1>, vector<16xi32>
      %gather3A_412 = tpu.vector_load_idx %arg7[%select_n3A_411] : memref<2000xi32, #tpu.memory_space<vmem>>[vector<16xi32>], vector<16xi32>,
      %swap3A_413 = arith.constant 128 : index
      %swap3A_414 = tpu.vector_load %arg8[%swap3A_413] {strides = array<i32>} : memref<400xi32, #tpu.memory_space<vmem>>, vector<16xi32>,
      tpu.vector_store %arg8[%swap3A_413], %gather3A_412 {strides = array<i32>} : memref<400xi32, #tpu.memory_space<vmem>>, vector<16xi32>,
      %add3A_415 = arith.constant 10000 : i32
      %add3A_416 = vector.broadcast %add3A_415 : i32 to vector<16xi32>
      %add3A_417 = arith.addi %add3A_380, %add3A_416 : vector<16xi32>
      %swap3A_418 = arith.constant 128 : index
      %swap3A_419 = tpu.vector_load %arg9[%swap3A_418] {strides = array<i32>} : memref<400xi32, #tpu.memory_space<vmem>>, vector<16xi32>,
      tpu.vector_store %arg9[%swap3A_418], %add3A_417 {strides = array<i32>} : memref<400xi32, #tpu.memory_space<vmem>>, vector<16xi32>,
      %add3A_420 = arith.constant 144 : i32
      %add3A_421 = arith.addi %mul3A_40, %add3A_420 : i32
      %add3A_422 = vector.broadcast %add3A_421 : i32 to vector<16xi32>
      %add3A_423 = arith.addi %iota3A, %add3A_422 : vector<16xi32>
      %jit3A_424 = arith.constant 5 : i32
      %div3A_425 = vector.broadcast %jit3A_424 : i32 to vector<16xi32>
      %div3A_426 = arith.divsi %add3A_423, %div3A_425 : vector<16xi32>
      %sign3A_427 = arith.constant 0 : i32
      %sign3A_428 = vector.broadcast %sign3A_427 : i32 to vector<16xi32>
      %sign3A_429 = arith.cmpi sgt, %add3A_423, %sign3A_428 : vector<16xi32>
      %sign3A_430 = arith.extui %sign3A_429 : vector<16xi1> to vector<16xi32>
      %sign3A_431 = arith.constant 0 : i32
      %sign3A_432 = vector.broadcast %sign3A_431 : i32 to vector<16xi32>
      %sign3A_433 = arith.cmpi slt, %add3A_423, %sign3A_432 : vector<16xi32>
      %sign3A_434 = arith.extui %sign3A_433 : vector<16xi1> to vector<16xi32>
      %sign3A_435 = arith.subi %sign3A_430, %sign3A_434 : vector<16xi32>
      %sign3A_436 = arith.constant 0 : i32
      %sign3A_437 = arith.cmpi sgt, %jit3A_424, %sign3A_436 : i32
      %sign3A_438 = arith.extui %sign3A_437 : i1 to i32
      %sign3A_439 = arith.constant 0 : i32
      %sign3A_440 = arith.cmpi slt, %jit3A_424, %sign3A_439 : i32
      %sign3A_441 = arith.extui %sign3A_440 : i1 to i32
      %sign3A_442 = arith.subi %sign3A_438, %sign3A_441 : i32
      %ne3A_443 = vector.broadcast %sign3A_442 : i32 to vector<16xi32>
      %ne3A_444 = arith.cmpi ne, %sign3A_435, %ne3A_443 : vector<16xi32>
      %rem3A_445 = vector.broadcast %jit3A_424 : i32 to vector<16xi32>
      %rem3A_446 = arith.remsi %add3A_423, %rem3A_445 : vector<16xi32>
      %ne3A_447 = arith.constant 0 : i32
      %ne3A_448 = vector.broadcast %ne3A_447 : i32 to vector<16xi32>
      %ne3A_449 = arith.cmpi ne, %rem3A_446, %ne3A_448 : vector<16xi32>
      %and3A_450 = arith.andi %ne3A_444, %ne3A_449 : vector<16xi1>
      %sub3A_451 = arith.constant 1 : i32
      %sub3A_452 = vector.broadcast %sub3A_451 : i32 to vector<16xi32>
      %sub3A_453 = arith.subi %div3A_426, %sub3A_452 : vector<16xi32>
      %select_n3A_454 = arith.select %and3A_450, %sub3A_453, %div3A_426 : vector<16xi1>, vector<16xi32>
      %gather3A_455 = tpu.vector_load_idx %arg7[%select_n3A_454] : memref<2000xi32, #tpu.memory_space<vmem>>[vector<16xi32>], vector<16xi32>,
      %swap3A_456 = arith.constant 144 : index
      %swap3A_457 = tpu.vector_load %arg8[%swap3A_456] {strides = array<i32>} : memref<400xi32, #tpu.memory_space<vmem>>, vector<16xi32>,
      tpu.vector_store %arg8[%swap3A_456], %gather3A_455 {strides = array<i32>} : memref<400xi32, #tpu.memory_space<vmem>>, vector<16xi32>,
      %add3A_458 = arith.constant 10000 : i32
      %add3A_459 = vector.broadcast %add3A_458 : i32 to vector<16xi32>
      %add3A_460 = arith.addi %add3A_423, %add3A_459 : vector<16xi32>
      %swap3A_461 = arith.constant 144 : index
      %swap3A_462 = tpu.vector_load %arg9[%swap3A_461] {strides = array<i32>} : memref<400xi32, #tpu.memory_space<vmem>>, vector<16xi32>,
      tpu.vector_store %arg9[%swap3A_461], %add3A_460 {strides = array<i32>} : memref<400xi32, #tpu.memory_space<vmem>>, vector<16xi32>,
      %add3A_463 = arith.constant 160 : i32
      %add3A_464 = arith.addi %mul3A_40, %add3A_463 : i32
      %add3A_465 = vector.broadcast %add3A_464 : i32 to vector<16xi32>
      %add3A_466 = arith.addi %iota3A, %add3A_465 : vector<16xi32>
      %jit3A_467 = arith.constant 5 : i32
      %div3A_468 = vector.broadcast %jit3A_467 : i32 to vector<16xi32>
      %div3A_469 = arith.divsi %add3A_466, %div3A_468 : vector<16xi32>
      %sign3A_470 = arith.constant 0 : i32
      %sign3A_471 = vector.broadcast %sign3A_470 : i32 to vector<16xi32>
      %sign3A_472 = arith.cmpi sgt, %add3A_466, %sign3A_471 : vector<16xi32>
      %sign3A_473 = arith.extui %sign3A_472 : vector<16xi1> to vector<16xi32>
      %sign3A_474 = arith.constant 0 : i32
      %sign3A_475 = vector.broadcast %sign3A_474 : i32 to vector<16xi32>
      %sign3A_476 = arith.cmpi slt, %add3A_466, %sign3A_475 : vector<16xi32>
      %sign3A_477 = arith.extui %sign3A_476 : vector<16xi1> to vector<16xi32>
      %sign3A_478 = arith.subi %sign3A_473, %sign3A_477 : vector<16xi32>
      %sign3A_479 = arith.constant 0 : i32
      %sign3A_480 = arith.cmpi sgt, %jit3A_467, %sign3A_479 : i32
      %sign3A_481 = arith.extui %sign3A_480 : i1 to i32
      %sign3A_482 = arith.constant 0 : i32
      %sign3A_483 = arith.cmpi slt, %jit3A_467, %sign3A_482 : i32
      %sign3A_484 = arith.extui %sign3A_483 : i1 to i32
      %sign3A_485 = arith.subi %sign3A_481, %sign3A_484 : i32
      %ne3A_486 = vector.broadcast %sign3A_485 : i32 to vector<16xi32>
      %ne3A_487 = arith.cmpi ne, %sign3A_478, %ne3A_486 : vector<16xi32>
      %rem3A_488 = vector.broadcast %jit3A_467 : i32 to vector<16xi32>
      %rem3A_489 = arith.remsi %add3A_466, %rem3A_488 : vector<16xi32>
      %ne3A_490 = arith.constant 0 : i32
      %ne3A_491 = vector.broadcast %ne3A_490 : i32 to vector<16xi32>
      %ne3A_492 = arith.cmpi ne, %rem3A_489, %ne3A_491 : vector<16xi32>
      %and3A_493 = arith.andi %ne3A_487, %ne3A_492 : vector<16xi1>
      %sub3A_494 = arith.constant 1 : i32
      %sub3A_495 = vector.broadcast %sub3A_494 : i32 to vector<16xi32>
      %sub3A_496 = arith.subi %div3A_469, %sub3A_495 : vector<16xi32>
      %select_n3A_497 = arith.select %and3A_493, %sub3A_496, %div3A_469 : vector<16xi1>, vector<16xi32>
      %gather3A_498 = tpu.vector_load_idx %arg7[%select_n3A_497] : memref<2000xi32, #tpu.memory_space<vmem>>[vector<16xi32>], vector<16xi32>,
      %swap3A_499 = arith.constant 160 : index
      %swap3A_500 = tpu.vector_load %arg8[%swap3A_499] {strides = array<i32>} : memref<400xi32, #tpu.memory_space<vmem>>, vector<16xi32>,
      tpu.vector_store %arg8[%swap3A_499], %gather3A_498 {strides = array<i32>} : memref<400xi32, #tpu.memory_space<vmem>>, vector<16xi32>,
      %add3A_501 = arith.constant 10000 : i32
      %add3A_502 = vector.broadcast %add3A_501 : i32 to vector<16xi32>
      %add3A_503 = arith.addi %add3A_466, %add3A_502 : vector<16xi32>
      %swap3A_504 = arith.constant 160 : index
      %swap3A_505 = tpu.vector_load %arg9[%swap3A_504] {strides = array<i32>} : memref<400xi32, #tpu.memory_space<vmem>>, vector<16xi32>,
      tpu.vector_store %arg9[%swap3A_504], %add3A_503 {strides = array<i32>} : memref<400xi32, #tpu.memory_space<vmem>>, vector<16xi32>,
      %add3A_506 = arith.constant 176 : i32
      %add3A_507 = arith.addi %mul3A_40, %add3A_506 : i32
      %add3A_508 = vector.broadcast %add3A_507 : i32 to vector<16xi32>
      %add3A_509 = arith.addi %iota3A, %add3A_508 : vector<16xi32>
      %jit3A_510 = arith.constant 5 : i32
      %div3A_511 = vector.broadcast %jit3A_510 : i32 to vector<16xi32>
      %div3A_512 = arith.divsi %add3A_509, %div3A_511 : vector<16xi32>
      %sign3A_513 = arith.constant 0 : i32
      %sign3A_514 = vector.broadcast %sign3A_513 : i32 to vector<16xi32>
      %sign3A_515 = arith.cmpi sgt, %add3A_509, %sign3A_514 : vector<16xi32>
      %sign3A_516 = arith.extui %sign3A_515 : vector<16xi1> to vector<16xi32>
      %sign3A_517 = arith.constant 0 : i32
      %sign3A_518 = vector.broadcast %sign3A_517 : i32 to vector<16xi32>
      %sign3A_519 = arith.cmpi slt, %add3A_509, %sign3A_518 : vector<16xi32>
      %sign3A_520 = arith.extui %sign3A_519 : vector<16xi1> to vector<16xi32>
      %sign3A_521 = arith.subi %sign3A_516, %sign3A_520 : vector<16xi32>
      %sign3A_522 = arith.constant 0 : i32
      %sign3A_523 = arith.cmpi sgt, %jit3A_510, %sign3A_522 : i32
      %sign3A_524 = arith.extui %sign3A_523 : i1 to i32
      %sign3A_525 = arith.constant 0 : i32
      %sign3A_526 = arith.cmpi slt, %jit3A_510, %sign3A_525 : i32
      %sign3A_527 = arith.extui %sign3A_526 : i1 to i32
      %sign3A_528 = arith.subi %sign3A_524, %sign3A_527 : i32
      %ne3A_529 = vector.broadcast %sign3A_528 : i32 to vector<16xi32>
      %ne3A_530 = arith.cmpi ne, %sign3A_521, %ne3A_529 : vector<16xi32>
      %rem3A_531 = vector.broadcast %jit3A_510 : i32 to vector<16xi32>
      %rem3A_532 = arith.remsi %add3A_509, %rem3A_531 : vector<16xi32>
      %ne3A_533 = arith.constant 0 : i32
      %ne3A_534 = vector.broadcast %ne3A_533 : i32 to vector<16xi32>
      %ne3A_535 = arith.cmpi ne, %rem3A_532, %ne3A_534 : vector<16xi32>
      %and3A_536 = arith.andi %ne3A_530, %ne3A_535 : vector<16xi1>
      %sub3A_537 = arith.constant 1 : i32
      %sub3A_538 = vector.broadcast %sub3A_537 : i32 to vector<16xi32>
      %sub3A_539 = arith.subi %div3A_512, %sub3A_538 : vector<16xi32>
      %select_n3A_540 = arith.select %and3A_536, %sub3A_539, %div3A_512 : vector<16xi1>, vector<16xi32>
      %gather3A_541 = tpu.vector_load_idx %arg7[%select_n3A_540] : memref<2000xi32, #tpu.memory_space<vmem>>[vector<16xi32>], vector<16xi32>,
      %swap3A_542 = arith.constant 176 : index
      %swap3A_543 = tpu.vector_load %arg8[%swap3A_542] {strides = array<i32>} : memref<400xi32, #tpu.memory_space<vmem>>, vector<16xi32>,
      tpu.vector_store %arg8[%swap3A_542], %gather3A_541 {strides = array<i32>} : memref<400xi32, #tpu.memory_space<vmem>>, vector<16xi32>,
      %add3A_544 = arith.constant 10000 : i32
      %add3A_545 = vector.broadcast %add3A_544 : i32 to vector<16xi32>
      %add3A_546 = arith.addi %add3A_509, %add3A_545 : vector<16xi32>
      %swap3A_547 = arith.constant 176 : index
      %swap3A_548 = tpu.vector_load %arg9[%swap3A_547] {strides = array<i32>} : memref<400xi32, #tpu.memory_space<vmem>>, vector<16xi32>,
      tpu.vector_store %arg9[%swap3A_547], %add3A_546 {strides = array<i32>} : memref<400xi32, #tpu.memory_space<vmem>>, vector<16xi32>,
      %add3A_549 = arith.constant 192 : i32
      %add3A_550 = arith.addi %mul3A_40, %add3A_549 : i32
      %add3A_551 = vector.broadcast %add3A_550 : i32 to vector<16xi32>
      %add3A_552 = arith.addi %iota3A, %add3A_551 : vector<16xi32>
      %jit3A_553 = arith.constant 5 : i32
      %div3A_554 = vector.broadcast %jit3A_553 : i32 to vector<16xi32>
      %div3A_555 = arith.divsi %add3A_552, %div3A_554 : vector<16xi32>
      %sign3A_556 = arith.constant 0 : i32
      %sign3A_557 = vector.broadcast %sign3A_556 : i32 to vector<16xi32>
      %sign3A_558 = arith.cmpi sgt, %add3A_552, %sign3A_557 : vector<16xi32>
      %sign3A_559 = arith.extui %sign3A_558 : vector<16xi1> to vector<16xi32>
      %sign3A_560 = arith.constant 0 : i32
      %sign3A_561 = vector.broadcast %sign3A_560 : i32 to vector<16xi32>
      %sign3A_562 = arith.cmpi slt, %add3A_552, %sign3A_561 : vector<16xi32>
      %sign3A_563 = arith.extui %sign3A_562 : vector<16xi1> to vector<16xi32>
      %sign3A_564 = arith.subi %sign3A_559, %sign3A_563 : vector<16xi32>
      %sign3A_565 = arith.constant 0 : i32
      %sign3A_566 = arith.cmpi sgt, %jit3A_553, %sign3A_565 : i32
      %sign3A_567 = arith.extui %sign3A_566 : i1 to i32
      %sign3A_568 = arith.constant 0 : i32
      %sign3A_569 = arith.cmpi slt, %jit3A_553, %sign3A_568 : i32
      %sign3A_570 = arith.extui %sign3A_569 : i1 to i32
      %sign3A_571 = arith.subi %sign3A_567, %sign3A_570 : i32
      %ne3A_572 = vector.broadcast %sign3A_571 : i32 to vector<16xi32>
      %ne3A_573 = arith.cmpi ne, %sign3A_564, %ne3A_572 : vector<16xi32>
      %rem3A_574 = vector.broadcast %jit3A_553 : i32 to vector<16xi32>
      %rem3A_575 = arith.remsi %add3A_552, %rem3A_574 : vector<16xi32>
      %ne3A_576 = arith.constant 0 : i32
      %ne3A_577 = vector.broadcast %ne3A_576 : i32 to vector<16xi32>
      %ne3A_578 = arith.cmpi ne, %rem3A_575, %ne3A_577 : vector<16xi32>
      %and3A_579 = arith.andi %ne3A_573, %ne3A_578 : vector<16xi1>
      %sub3A_580 = arith.constant 1 : i32
      %sub3A_581 = vector.broadcast %sub3A_580 : i32 to vector<16xi32>
      %sub3A_582 = arith.subi %div3A_555, %sub3A_581 : vector<16xi32>
      %select_n3A_583 = arith.select %and3A_579, %sub3A_582, %div3A_555 : vector<16xi1>, vector<16xi32>
      %gather3A_584 = tpu.vector_load_idx %arg7[%select_n3A_583] : memref<2000xi32, #tpu.memory_space<vmem>>[vector<16xi32>], vector<16xi32>,
      %swap3A_585 = arith.constant 192 : index
      %swap3A_586 = tpu.vector_load %arg8[%swap3A_585] {strides = array<i32>} : memref<400xi32, #tpu.memory_space<vmem>>, vector<16xi32>,
      tpu.vector_store %arg8[%swap3A_585], %gather3A_584 {strides = array<i32>} : memref<400xi32, #tpu.memory_space<vmem>>, vector<16xi32>,
      %add3A_587 = arith.constant 10000 : i32
      %add3A_588 = vector.broadcast %add3A_587 : i32 to vector<16xi32>
      %add3A_589 = arith.addi %add3A_552, %add3A_588 : vector<16xi32>
      %swap3A_590 = arith.constant 192 : index
      %swap3A_591 = tpu.vector_load %arg9[%swap3A_590] {strides = array<i32>} : memref<400xi32, #tpu.memory_space<vmem>>, vector<16xi32>,
      tpu.vector_store %arg9[%swap3A_590], %add3A_589 {strides = array<i32>} : memref<400xi32, #tpu.memory_space<vmem>>, vector<16xi32>,
      %add3A_592 = arith.constant 208 : i32
      %add3A_593 = arith.addi %mul3A_40, %add3A_592 : i32
      %add3A_594 = vector.broadcast %add3A_593 : i32 to vector<16xi32>
      %add3A_595 = arith.addi %iota3A, %add3A_594 : vector<16xi32>
      %jit3A_596 = arith.constant 5 : i32
      %div3A_597 = vector.broadcast %jit3A_596 : i32 to vector<16xi32>
      %div3A_598 = arith.divsi %add3A_595, %div3A_597 : vector<16xi32>
      %sign3A_599 = arith.constant 0 : i32
      %sign3A_600 = vector.broadcast %sign3A_599 : i32 to vector<16xi32>
      %sign3A_601 = arith.cmpi sgt, %add3A_595, %sign3A_600 : vector<16xi32>
      %sign3A_602 = arith.extui %sign3A_601 : vector<16xi1> to vector<16xi32>
      %sign3A_603 = arith.constant 0 : i32
      %sign3A_604 = vector.broadcast %sign3A_603 : i32 to vector<16xi32>
      %sign3A_605 = arith.cmpi slt, %add3A_595, %sign3A_604 : vector<16xi32>
      %sign3A_606 = arith.extui %sign3A_605 : vector<16xi1> to vector<16xi32>
      %sign3A_607 = arith.subi %sign3A_602, %sign3A_606 : vector<16xi32>
      %sign3A_608 = arith.constant 0 : i32
      %sign3A_609 = arith.cmpi sgt, %jit3A_596, %sign3A_608 : i32
      %sign3A_610 = arith.extui %sign3A_609 : i1 to i32
      %sign3A_611 = arith.constant 0 : i32
      %sign3A_612 = arith.cmpi slt, %jit3A_596, %sign3A_611 : i32
      %sign3A_613 = arith.extui %sign3A_612 : i1 to i32
      %sign3A_614 = arith.subi %sign3A_610, %sign3A_613 : i32
      %ne3A_615 = vector.broadcast %sign3A_614 : i32 to vector<16xi32>
      %ne3A_616 = arith.cmpi ne, %sign3A_607, %ne3A_615 : vector<16xi32>
      %rem3A_617 = vector.broadcast %jit3A_596 : i32 to vector<16xi32>
      %rem3A_618 = arith.remsi %add3A_595, %rem3A_617 : vector<16xi32>
      %ne3A_619 = arith.constant 0 : i32
      %ne3A_620 = vector.broadcast %ne3A_619 : i32 to vector<16xi32>
      %ne3A_621 = arith.cmpi ne, %rem3A_618, %ne3A_620 : vector<16xi32>
      %and3A_622 = arith.andi %ne3A_616, %ne3A_621 : vector<16xi1>
      %sub3A_623 = arith.constant 1 : i32
      %sub3A_624 = vector.broadcast %sub3A_623 : i32 to vector<16xi32>
      %sub3A_625 = arith.subi %div3A_598, %sub3A_624 : vector<16xi32>
      %select_n3A_626 = arith.select %and3A_622, %sub3A_625, %div3A_598 : vector<16xi1>, vector<16xi32>
      %gather3A_627 = tpu.vector_load_idx %arg7[%select_n3A_626] : memref<2000xi32, #tpu.memory_space<vmem>>[vector<16xi32>], vector<16xi32>,
      %swap3A_628 = arith.constant 208 : index
      %swap3A_629 = tpu.vector_load %arg8[%swap3A_628] {strides = array<i32>} : memref<400xi32, #tpu.memory_space<vmem>>, vector<16xi32>,
      tpu.vector_store %arg8[%swap3A_628], %gather3A_627 {strides = array<i32>} : memref<400xi32, #tpu.memory_space<vmem>>, vector<16xi32>,
      %add3A_630 = arith.constant 10000 : i32
      %add3A_631 = vector.broadcast %add3A_630 : i32 to vector<16xi32>
      %add3A_632 = arith.addi %add3A_595, %add3A_631 : vector<16xi32>
      %swap3A_633 = arith.constant 208 : index
      %swap3A_634 = tpu.vector_load %arg9[%swap3A_633] {strides = array<i32>} : memref<400xi32, #tpu.memory_space<vmem>>, vector<16xi32>,
      tpu.vector_store %arg9[%swap3A_633], %add3A_632 {strides = array<i32>} : memref<400xi32, #tpu.memory_space<vmem>>, vector<16xi32>,
      %add3A_635 = arith.constant 224 : i32
      %add3A_636 = arith.addi %mul3A_40, %add3A_635 : i32
      %add3A_637 = vector.broadcast %add3A_636 : i32 to vector<16xi32>
      %add3A_638 = arith.addi %iota3A, %add3A_637 : vector<16xi32>
      %jit3A_639 = arith.constant 5 : i32
      %div3A_640 = vector.broadcast %jit3A_639 : i32 to vector<16xi32>
      %div3A_641 = arith.divsi %add3A_638, %div3A_640 : vector<16xi32>
      %sign3A_642 = arith.constant 0 : i32
      %sign3A_643 = vector.broadcast %sign3A_642 : i32 to vector<16xi32>
      %sign3A_644 = arith.cmpi sgt, %add3A_638, %sign3A_643 : vector<16xi32>
      %sign3A_645 = arith.extui %sign3A_644 : vector<16xi1> to vector<16xi32>
      %sign3A_646 = arith.constant 0 : i32
      %sign3A_647 = vector.broadcast %sign3A_646 : i32 to vector<16xi32>
      %sign3A_648 = arith.cmpi slt, %add3A_638, %sign3A_647 : vector<16xi32>
      %sign3A_649 = arith.extui %sign3A_648 : vector<16xi1> to vector<16xi32>
      %sign3A_650 = arith.subi %sign3A_645, %sign3A_649 : vector<16xi32>
      %sign3A_651 = arith.constant 0 : i32
      %sign3A_652 = arith.cmpi sgt, %jit3A_639, %sign3A_651 : i32
      %sign3A_653 = arith.extui %sign3A_652 : i1 to i32
      %sign3A_654 = arith.constant 0 : i32
      %sign3A_655 = arith.cmpi slt, %jit3A_639, %sign3A_654 : i32
      %sign3A_656 = arith.extui %sign3A_655 : i1 to i32
      %sign3A_657 = arith.subi %sign3A_653, %sign3A_656 : i32
      %ne3A_658 = vector.broadcast %sign3A_657 : i32 to vector<16xi32>
      %ne3A_659 = arith.cmpi ne, %sign3A_650, %ne3A_658 : vector<16xi32>
      %rem3A_660 = vector.broadcast %jit3A_639 : i32 to vector<16xi32>
      %rem3A_661 = arith.remsi %add3A_638, %rem3A_660 : vector<16xi32>
      %ne3A_662 = arith.constant 0 : i32
      %ne3A_663 = vector.broadcast %ne3A_662 : i32 to vector<16xi32>
      %ne3A_664 = arith.cmpi ne, %rem3A_661, %ne3A_663 : vector<16xi32>
      %and3A_665 = arith.andi %ne3A_659, %ne3A_664 : vector<16xi1>
      %sub3A_666 = arith.constant 1 : i32
      %sub3A_667 = vector.broadcast %sub3A_666 : i32 to vector<16xi32>
      %sub3A_668 = arith.subi %div3A_641, %sub3A_667 : vector<16xi32>
      %select_n3A_669 = arith.select %and3A_665, %sub3A_668, %div3A_641 : vector<16xi1>, vector<16xi32>
      %gather3A_670 = tpu.vector_load_idx %arg7[%select_n3A_669] : memref<2000xi32, #tpu.memory_space<vmem>>[vector<16xi32>], vector<16xi32>,
      %swap3A_671 = arith.constant 224 : index
      %swap3A_672 = tpu.vector_load %arg8[%swap3A_671] {strides = array<i32>} : memref<400xi32, #tpu.memory_space<vmem>>, vector<16xi32>,
      tpu.vector_store %arg8[%swap3A_671], %gather3A_670 {strides = array<i32>} : memref<400xi32, #tpu.memory_space<vmem>>, vector<16xi32>,
      %add3A_673 = arith.constant 10000 : i32
      %add3A_674 = vector.broadcast %add3A_673 : i32 to vector<16xi32>
      %add3A_675 = arith.addi %add3A_638, %add3A_674 : vector<16xi32>
      %swap3A_676 = arith.constant 224 : index
      %swap3A_677 = tpu.vector_load %arg9[%swap3A_676] {strides = array<i32>} : memref<400xi32, #tpu.memory_space<vmem>>, vector<16xi32>,
      tpu.vector_store %arg9[%swap3A_676], %add3A_675 {strides = array<i32>} : memref<400xi32, #tpu.memory_space<vmem>>, vector<16xi32>,
      %add3A_678 = arith.constant 240 : i32
      %add3A_679 = arith.addi %mul3A_40, %add3A_678 : i32
      %add3A_680 = vector.broadcast %add3A_679 : i32 to vector<16xi32>
      %add3A_681 = arith.addi %iota3A, %add3A_680 : vector<16xi32>
      %jit3A_682 = arith.constant 5 : i32
      %div3A_683 = vector.broadcast %jit3A_682 : i32 to vector<16xi32>
      %div3A_684 = arith.divsi %add3A_681, %div3A_683 : vector<16xi32>
      %sign3A_685 = arith.constant 0 : i32
      %sign3A_686 = vector.broadcast %sign3A_685 : i32 to vector<16xi32>
      %sign3A_687 = arith.cmpi sgt, %add3A_681, %sign3A_686 : vector<16xi32>
      %sign3A_688 = arith.extui %sign3A_687 : vector<16xi1> to vector<16xi32>
      %sign3A_689 = arith.constant 0 : i32
      %sign3A_690 = vector.broadcast %sign3A_689 : i32 to vector<16xi32>
      %sign3A_691 = arith.cmpi slt, %add3A_681, %sign3A_690 : vector<16xi32>
      %sign3A_692 = arith.extui %sign3A_691 : vector<16xi1> to vector<16xi32>
      %sign3A_693 = arith.subi %sign3A_688, %sign3A_692 : vector<16xi32>
      %sign3A_694 = arith.constant 0 : i32
      %sign3A_695 = arith.cmpi sgt, %jit3A_682, %sign3A_694 : i32
      %sign3A_696 = arith.extui %sign3A_695 : i1 to i32
      %sign3A_697 = arith.constant 0 : i32
      %sign3A_698 = arith.cmpi slt, %jit3A_682, %sign3A_697 : i32
      %sign3A_699 = arith.extui %sign3A_698 : i1 to i32
      %sign3A_700 = arith.subi %sign3A_696, %sign3A_699 : i32
      %ne3A_701 = vector.broadcast %sign3A_700 : i32 to vector<16xi32>
      %ne3A_702 = arith.cmpi ne, %sign3A_693, %ne3A_701 : vector<16xi32>
      %rem3A_703 = vector.broadcast %jit3A_682 : i32 to vector<16xi32>
      %rem3A_704 = arith.remsi %add3A_681, %rem3A_703 : vector<16xi32>
      %ne3A_705 = arith.constant 0 : i32
      %ne3A_706 = vector.broadcast %ne3A_705 : i32 to vector<16xi32>
      %ne3A_707 = arith.cmpi ne, %rem3A_704, %ne3A_706 : vector<16xi32>
      %and3A_708 = arith.andi %ne3A_702, %ne3A_707 : vector<16xi1>
      %sub3A_709 = arith.constant 1 : i32
      %sub3A_710 = vector.broadcast %sub3A_709 : i32 to vector<16xi32>
      %sub3A_711 = arith.subi %div3A_684, %sub3A_710 : vector<16xi32>
      %select_n3A_712 = arith.select %and3A_708, %sub3A_711, %div3A_684 : vector<16xi1>, vector<16xi32>
      %gather3A_713 = tpu.vector_load_idx %arg7[%select_n3A_712] : memref<2000xi32, #tpu.memory_space<vmem>>[vector<16xi32>], vector<16xi32>,
      %swap3A_714 = arith.constant 240 : index
      %swap3A_715 = tpu.vector_load %arg8[%swap3A_714] {strides = array<i32>} : memref<400xi32, #tpu.memory_space<vmem>>, vector<16xi32>,
      tpu.vector_store %arg8[%swap3A_714], %gather3A_713 {strides = array<i32>} : memref<400xi32, #tpu.memory_space<vmem>>, vector<16xi32>,
      %add3A_716 = arith.constant 10000 : i32
      %add3A_717 = vector.broadcast %add3A_716 : i32 to vector<16xi32>
      %add3A_718 = arith.addi %add3A_681, %add3A_717 : vector<16xi32>
      %swap3A_719 = arith.constant 240 : index
      %swap3A_720 = tpu.vector_load %arg9[%swap3A_719] {strides = array<i32>} : memref<400xi32, #tpu.memory_space<vmem>>, vector<16xi32>,
      tpu.vector_store %arg9[%swap3A_719], %add3A_718 {strides = array<i32>} : memref<400xi32, #tpu.memory_space<vmem>>, vector<16xi32>,
      %add3A_721 = arith.constant 256 : i32
      %add3A_722 = arith.addi %mul3A_40, %add3A_721 : i32
      %add3A_723 = vector.broadcast %add3A_722 : i32 to vector<16xi32>
      %add3A_724 = arith.addi %iota3A, %add3A_723 : vector<16xi32>
      %jit3A_725 = arith.constant 5 : i32
      %div3A_726 = vector.broadcast %jit3A_725 : i32 to vector<16xi32>
      %div3A_727 = arith.divsi %add3A_724, %div3A_726 : vector<16xi32>
      %sign3A_728 = arith.constant 0 : i32
      %sign3A_729 = vector.broadcast %sign3A_728 : i32 to vector<16xi32>
      %sign3A_730 = arith.cmpi sgt, %add3A_724, %sign3A_729 : vector<16xi32>
      %sign3A_731 = arith.extui %sign3A_730 : vector<16xi1> to vector<16xi32>
      %sign3A_732 = arith.constant 0 : i32
      %sign3A_733 = vector.broadcast %sign3A_732 : i32 to vector<16xi32>
      %sign3A_734 = arith.cmpi slt, %add3A_724, %sign3A_733 : vector<16xi32>
      %sign3A_735 = arith.extui %sign3A_734 : vector<16xi1> to vector<16xi32>
      %sign3A_736 = arith.subi %sign3A_731, %sign3A_735 : vector<16xi32>
      %sign3A_737 = arith.constant 0 : i32
      %sign3A_738 = arith.cmpi sgt, %jit3A_725, %sign3A_737 : i32
      %sign3A_739 = arith.extui %sign3A_738 : i1 to i32
      %sign3A_740 = arith.constant 0 : i32
      %sign3A_741 = arith.cmpi slt, %jit3A_725, %sign3A_740 : i32
      %sign3A_742 = arith.extui %sign3A_741 : i1 to i32
      %sign3A_743 = arith.subi %sign3A_739, %sign3A_742 : i32
      %ne3A_744 = vector.broadcast %sign3A_743 : i32 to vector<16xi32>
      %ne3A_745 = arith.cmpi ne, %sign3A_736, %ne3A_744 : vector<16xi32>
      %rem3A_746 = vector.broadcast %jit3A_725 : i32 to vector<16xi32>
      %rem3A_747 = arith.remsi %add3A_724, %rem3A_746 : vector<16xi32>
      %ne3A_748 = arith.constant 0 : i32
      %ne3A_749 = vector.broadcast %ne3A_748 : i32 to vector<16xi32>
      %ne3A_750 = arith.cmpi ne, %rem3A_747, %ne3A_749 : vector<16xi32>
      %and3A_751 = arith.andi %ne3A_745, %ne3A_750 : vector<16xi1>
      %sub3A_752 = arith.constant 1 : i32
      %sub3A_753 = vector.broadcast %sub3A_752 : i32 to vector<16xi32>
      %sub3A_754 = arith.subi %div3A_727, %sub3A_753 : vector<16xi32>
      %select_n3A_755 = arith.select %and3A_751, %sub3A_754, %div3A_727 : vector<16xi1>, vector<16xi32>
      %gather3A_756 = tpu.vector_load_idx %arg7[%select_n3A_755] : memref<2000xi32, #tpu.memory_space<vmem>>[vector<16xi32>], vector<16xi32>,
      %swap3A_757 = arith.constant 256 : index
      %swap3A_758 = tpu.vector_load %arg8[%swap3A_757] {strides = array<i32>} : memref<400xi32, #tpu.memory_space<vmem>>, vector<16xi32>,
      tpu.vector_store %arg8[%swap3A_757], %gather3A_756 {strides = array<i32>} : memref<400xi32, #tpu.memory_space<vmem>>, vector<16xi32>,
      %add3A_759 = arith.constant 10000 : i32
      %add3A_760 = vector.broadcast %add3A_759 : i32 to vector<16xi32>
      %add3A_761 = arith.addi %add3A_724, %add3A_760 : vector<16xi32>
      %swap3A_762 = arith.constant 256 : index
      %swap3A_763 = tpu.vector_load %arg9[%swap3A_762] {strides = array<i32>} : memref<400xi32, #tpu.memory_space<vmem>>, vector<16xi32>,
      tpu.vector_store %arg9[%swap3A_762], %add3A_761 {strides = array<i32>} : memref<400xi32, #tpu.memory_space<vmem>>, vector<16xi32>,
      %add3A_764 = arith.constant 272 : i32
      %add3A_765 = arith.addi %mul3A_40, %add3A_764 : i32
      %add3A_766 = vector.broadcast %add3A_765 : i32 to vector<16xi32>
      %add3A_767 = arith.addi %iota3A, %add3A_766 : vector<16xi32>
      %jit3A_768 = arith.constant 5 : i32
      %div3A_769 = vector.broadcast %jit3A_768 : i32 to vector<16xi32>
      %div3A_770 = arith.divsi %add3A_767, %div3A_769 : vector<16xi32>
      %sign3A_771 = arith.constant 0 : i32
      %sign3A_772 = vector.broadcast %sign3A_771 : i32 to vector<16xi32>
      %sign3A_773 = arith.cmpi sgt, %add3A_767, %sign3A_772 : vector<16xi32>
      %sign3A_774 = arith.extui %sign3A_773 : vector<16xi1> to vector<16xi32>
      %sign3A_775 = arith.constant 0 : i32
      %sign3A_776 = vector.broadcast %sign3A_775 : i32 to vector<16xi32>
      %sign3A_777 = arith.cmpi slt, %add3A_767, %sign3A_776 : vector<16xi32>
      %sign3A_778 = arith.extui %sign3A_777 : vector<16xi1> to vector<16xi32>
      %sign3A_779 = arith.subi %sign3A_774, %sign3A_778 : vector<16xi32>
      %sign3A_780 = arith.constant 0 : i32
      %sign3A_781 = arith.cmpi sgt, %jit3A_768, %sign3A_780 : i32
      %sign3A_782 = arith.extui %sign3A_781 : i1 to i32
      %sign3A_783 = arith.constant 0 : i32
      %sign3A_784 = arith.cmpi slt, %jit3A_768, %sign3A_783 : i32
      %sign3A_785 = arith.extui %sign3A_784 : i1 to i32
      %sign3A_786 = arith.subi %sign3A_782, %sign3A_785 : i32
      %ne3A_787 = vector.broadcast %sign3A_786 : i32 to vector<16xi32>
      %ne3A_788 = arith.cmpi ne, %sign3A_779, %ne3A_787 : vector<16xi32>
      %rem3A_789 = vector.broadcast %jit3A_768 : i32 to vector<16xi32>
      %rem3A_790 = arith.remsi %add3A_767, %rem3A_789 : vector<16xi32>
      %ne3A_791 = arith.constant 0 : i32
      %ne3A_792 = vector.broadcast %ne3A_791 : i32 to vector<16xi32>
      %ne3A_793 = arith.cmpi ne, %rem3A_790, %ne3A_792 : vector<16xi32>
      %and3A_794 = arith.andi %ne3A_788, %ne3A_793 : vector<16xi1>
      %sub3A_795 = arith.constant 1 : i32
      %sub3A_796 = vector.broadcast %sub3A_795 : i32 to vector<16xi32>
      %sub3A_797 = arith.subi %div3A_770, %sub3A_796 : vector<16xi32>
      %select_n3A_798 = arith.select %and3A_794, %sub3A_797, %div3A_770 : vector<16xi1>, vector<16xi32>
      %gather3A_799 = tpu.vector_load_idx %arg7[%select_n3A_798] : memref<2000xi32, #tpu.memory_space<vmem>>[vector<16xi32>], vector<16xi32>,
      %swap3A_800 = arith.constant 272 : index
      %swap3A_801 = tpu.vector_load %arg8[%swap3A_800] {strides = array<i32>} : memref<400xi32, #tpu.memory_space<vmem>>, vector<16xi32>,
      tpu.vector_store %arg8[%swap3A_800], %gather3A_799 {strides = array<i32>} : memref<400xi32, #tpu.memory_space<vmem>>, vector<16xi32>,
      %add3A_802 = arith.constant 10000 : i32
      %add3A_803 = vector.broadcast %add3A_802 : i32 to vector<16xi32>
      %add3A_804 = arith.addi %add3A_767, %add3A_803 : vector<16xi32>
      %swap3A_805 = arith.constant 272 : index
      %swap3A_806 = tpu.vector_load %arg9[%swap3A_805] {strides = array<i32>} : memref<400xi32, #tpu.memory_space<vmem>>, vector<16xi32>,
      tpu.vector_store %arg9[%swap3A_805], %add3A_804 {strides = array<i32>} : memref<400xi32, #tpu.memory_space<vmem>>, vector<16xi32>,
      %add3A_807 = arith.constant 288 : i32
      %add3A_808 = arith.addi %mul3A_40, %add3A_807 : i32
      %add3A_809 = vector.broadcast %add3A_808 : i32 to vector<16xi32>
      %add3A_810 = arith.addi %iota3A, %add3A_809 : vector<16xi32>
      %jit3A_811 = arith.constant 5 : i32
      %div3A_812 = vector.broadcast %jit3A_811 : i32 to vector<16xi32>
      %div3A_813 = arith.divsi %add3A_810, %div3A_812 : vector<16xi32>
      %sign3A_814 = arith.constant 0 : i32
      %sign3A_815 = vector.broadcast %sign3A_814 : i32 to vector<16xi32>
      %sign3A_816 = arith.cmpi sgt, %add3A_810, %sign3A_815 : vector<16xi32>
      %sign3A_817 = arith.extui %sign3A_816 : vector<16xi1> to vector<16xi32>
      %sign3A_818 = arith.constant 0 : i32
      %sign3A_819 = vector.broadcast %sign3A_818 : i32 to vector<16xi32>
      %sign3A_820 = arith.cmpi slt, %add3A_810, %sign3A_819 : vector<16xi32>
      %sign3A_821 = arith.extui %sign3A_820 : vector<16xi1> to vector<16xi32>
      %sign3A_822 = arith.subi %sign3A_817, %sign3A_821 : vector<16xi32>
      %sign3A_823 = arith.constant 0 : i32
      %sign3A_824 = arith.cmpi sgt, %jit3A_811, %sign3A_823 : i32
      %sign3A_825 = arith.extui %sign3A_824 : i1 to i32
      %sign3A_826 = arith.constant 0 : i32
      %sign3A_827 = arith.cmpi slt, %jit3A_811, %sign3A_826 : i32
      %sign3A_828 = arith.extui %sign3A_827 : i1 to i32
      %sign3A_829 = arith.subi %sign3A_825, %sign3A_828 : i32
      %ne3A_830 = vector.broadcast %sign3A_829 : i32 to vector<16xi32>
      %ne3A_831 = arith.cmpi ne, %sign3A_822, %ne3A_830 : vector<16xi32>
      %rem3A_832 = vector.broadcast %jit3A_811 : i32 to vector<16xi32>
      %rem3A_833 = arith.remsi %add3A_810, %rem3A_832 : vector<16xi32>
      %ne3A_834 = arith.constant 0 : i32
      %ne3A_835 = vector.broadcast %ne3A_834 : i32 to vector<16xi32>
      %ne3A_836 = arith.cmpi ne, %rem3A_833, %ne3A_835 : vector<16xi32>
      %and3A_837 = arith.andi %ne3A_831, %ne3A_836 : vector<16xi1>
      %sub3A_838 = arith.constant 1 : i32
      %sub3A_839 = vector.broadcast %sub3A_838 : i32 to vector<16xi32>
      %sub3A_840 = arith.subi %div3A_813, %sub3A_839 : vector<16xi32>
      %select_n3A_841 = arith.select %and3A_837, %sub3A_840, %div3A_813 : vector<16xi1>, vector<16xi32>
      %gather3A_842 = tpu.vector_load_idx %arg7[%select_n3A_841] : memref<2000xi32, #tpu.memory_space<vmem>>[vector<16xi32>], vector<16xi32>,
      %swap3A_843 = arith.constant 288 : index
      %swap3A_844 = tpu.vector_load %arg8[%swap3A_843] {strides = array<i32>} : memref<400xi32, #tpu.memory_space<vmem>>, vector<16xi32>,
      tpu.vector_store %arg8[%swap3A_843], %gather3A_842 {strides = array<i32>} : memref<400xi32, #tpu.memory_space<vmem>>, vector<16xi32>,
      %add3A_845 = arith.constant 10000 : i32
      %add3A_846 = vector.broadcast %add3A_845 : i32 to vector<16xi32>
      %add3A_847 = arith.addi %add3A_810, %add3A_846 : vector<16xi32>
      %swap3A_848 = arith.constant 288 : index
      %swap3A_849 = tpu.vector_load %arg9[%swap3A_848] {strides = array<i32>} : memref<400xi32, #tpu.memory_space<vmem>>, vector<16xi32>,
      tpu.vector_store %arg9[%swap3A_848], %add3A_847 {strides = array<i32>} : memref<400xi32, #tpu.memory_space<vmem>>, vector<16xi32>,
      %add3A_850 = arith.constant 304 : i32
      %add3A_851 = arith.addi %mul3A_40, %add3A_850 : i32
      %add3A_852 = vector.broadcast %add3A_851 : i32 to vector<16xi32>
      %add3A_853 = arith.addi %iota3A, %add3A_852 : vector<16xi32>
      %jit3A_854 = arith.constant 5 : i32
      %div3A_855 = vector.broadcast %jit3A_854 : i32 to vector<16xi32>
      %div3A_856 = arith.divsi %add3A_853, %div3A_855 : vector<16xi32>
      %sign3A_857 = arith.constant 0 : i32
      %sign3A_858 = vector.broadcast %sign3A_857 : i32 to vector<16xi32>
      %sign3A_859 = arith.cmpi sgt, %add3A_853, %sign3A_858 : vector<16xi32>
      %sign3A_860 = arith.extui %sign3A_859 : vector<16xi1> to vector<16xi32>
      %sign3A_861 = arith.constant 0 : i32
      %sign3A_862 = vector.broadcast %sign3A_861 : i32 to vector<16xi32>
      %sign3A_863 = arith.cmpi slt, %add3A_853, %sign3A_862 : vector<16xi32>
      %sign3A_864 = arith.extui %sign3A_863 : vector<16xi1> to vector<16xi32>
      %sign3A_865 = arith.subi %sign3A_860, %sign3A_864 : vector<16xi32>
      %sign3A_866 = arith.constant 0 : i32
      %sign3A_867 = arith.cmpi sgt, %jit3A_854, %sign3A_866 : i32
      %sign3A_868 = arith.extui %sign3A_867 : i1 to i32
      %sign3A_869 = arith.constant 0 : i32
      %sign3A_870 = arith.cmpi slt, %jit3A_854, %sign3A_869 : i32
      %sign3A_871 = arith.extui %sign3A_870 : i1 to i32
      %sign3A_872 = arith.subi %sign3A_868, %sign3A_871 : i32
      %ne3A_873 = vector.broadcast %sign3A_872 : i32 to vector<16xi32>
      %ne3A_874 = arith.cmpi ne, %sign3A_865, %ne3A_873 : vector<16xi32>
      %rem3A_875 = vector.broadcast %jit3A_854 : i32 to vector<16xi32>
      %rem3A_876 = arith.remsi %add3A_853, %rem3A_875 : vector<16xi32>
      %ne3A_877 = arith.constant 0 : i32
      %ne3A_878 = vector.broadcast %ne3A_877 : i32 to vector<16xi32>
      %ne3A_879 = arith.cmpi ne, %rem3A_876, %ne3A_878 : vector<16xi32>
      %and3A_880 = arith.andi %ne3A_874, %ne3A_879 : vector<16xi1>
      %sub3A_881 = arith.constant 1 : i32
      %sub3A_882 = vector.broadcast %sub3A_881 : i32 to vector<16xi32>
      %sub3A_883 = arith.subi %div3A_856, %sub3A_882 : vector<16xi32>
      %select_n3A_884 = arith.select %and3A_880, %sub3A_883, %div3A_856 : vector<16xi1>, vector<16xi32>
      %gather3A_885 = tpu.vector_load_idx %arg7[%select_n3A_884] : memref<2000xi32, #tpu.memory_space<vmem>>[vector<16xi32>], vector<16xi32>,
      %swap3A_886 = arith.constant 304 : index
      %swap3A_887 = tpu.vector_load %arg8[%swap3A_886] {strides = array<i32>} : memref<400xi32, #tpu.memory_space<vmem>>, vector<16xi32>,
      tpu.vector_store %arg8[%swap3A_886], %gather3A_885 {strides = array<i32>} : memref<400xi32, #tpu.memory_space<vmem>>, vector<16xi32>,
      %add3A_888 = arith.constant 10000 : i32
      %add3A_889 = vector.broadcast %add3A_888 : i32 to vector<16xi32>
      %add3A_890 = arith.addi %add3A_853, %add3A_889 : vector<16xi32>
      %swap3A_891 = arith.constant 304 : index
      %swap3A_892 = tpu.vector_load %arg9[%swap3A_891] {strides = array<i32>} : memref<400xi32, #tpu.memory_space<vmem>>, vector<16xi32>,
      tpu.vector_store %arg9[%swap3A_891], %add3A_890 {strides = array<i32>} : memref<400xi32, #tpu.memory_space<vmem>>, vector<16xi32>,
      %add3A_893 = arith.constant 320 : i32
      %add3A_894 = arith.addi %mul3A_40, %add3A_893 : i32
      %add3A_895 = vector.broadcast %add3A_894 : i32 to vector<16xi32>
      %add3A_896 = arith.addi %iota3A, %add3A_895 : vector<16xi32>
      %jit3A_897 = arith.constant 5 : i32
      %div3A_898 = vector.broadcast %jit3A_897 : i32 to vector<16xi32>
      %div3A_899 = arith.divsi %add3A_896, %div3A_898 : vector<16xi32>
      %sign3A_900 = arith.constant 0 : i32
      %sign3A_901 = vector.broadcast %sign3A_900 : i32 to vector<16xi32>
      %sign3A_902 = arith.cmpi sgt, %add3A_896, %sign3A_901 : vector<16xi32>
      %sign3A_903 = arith.extui %sign3A_902 : vector<16xi1> to vector<16xi32>
      %sign3A_904 = arith.constant 0 : i32
      %sign3A_905 = vector.broadcast %sign3A_904 : i32 to vector<16xi32>
      %sign3A_906 = arith.cmpi slt, %add3A_896, %sign3A_905 : vector<16xi32>
      %sign3A_907 = arith.extui %sign3A_906 : vector<16xi1> to vector<16xi32>
      %sign3A_908 = arith.subi %sign3A_903, %sign3A_907 : vector<16xi32>
      %sign3A_909 = arith.constant 0 : i32
      %sign3A_910 = arith.cmpi sgt, %jit3A_897, %sign3A_909 : i32
      %sign3A_911 = arith.extui %sign3A_910 : i1 to i32
      %sign3A_912 = arith.constant 0 : i32
      %sign3A_913 = arith.cmpi slt, %jit3A_897, %sign3A_912 : i32
      %sign3A_914 = arith.extui %sign3A_913 : i1 to i32
      %sign3A_915 = arith.subi %sign3A_911, %sign3A_914 : i32
      %ne3A_916 = vector.broadcast %sign3A_915 : i32 to vector<16xi32>
      %ne3A_917 = arith.cmpi ne, %sign3A_908, %ne3A_916 : vector<16xi32>
      %rem3A_918 = vector.broadcast %jit3A_897 : i32 to vector<16xi32>
      %rem3A_919 = arith.remsi %add3A_896, %rem3A_918 : vector<16xi32>
      %ne3A_920 = arith.constant 0 : i32
      %ne3A_921 = vector.broadcast %ne3A_920 : i32 to vector<16xi32>
      %ne3A_922 = arith.cmpi ne, %rem3A_919, %ne3A_921 : vector<16xi32>
      %and3A_923 = arith.andi %ne3A_917, %ne3A_922 : vector<16xi1>
      %sub3A_924 = arith.constant 1 : i32
      %sub3A_925 = vector.broadcast %sub3A_924 : i32 to vector<16xi32>
      %sub3A_926 = arith.subi %div3A_899, %sub3A_925 : vector<16xi32>
      %select_n3A_927 = arith.select %and3A_923, %sub3A_926, %div3A_899 : vector<16xi1>, vector<16xi32>
      %gather3A_928 = tpu.vector_load_idx %arg7[%select_n3A_927] : memref<2000xi32, #tpu.memory_space<vmem>>[vector<16xi32>], vector<16xi32>,
      %swap3A_929 = arith.constant 320 : index
      %swap3A_930 = tpu.vector_load %arg8[%swap3A_929] {strides = array<i32>} : memref<400xi32, #tpu.memory_space<vmem>>, vector<16xi32>,
      tpu.vector_store %arg8[%swap3A_929], %gather3A_928 {strides = array<i32>} : memref<400xi32, #tpu.memory_space<vmem>>, vector<16xi32>,
      %add3A_931 = arith.constant 10000 : i32
      %add3A_932 = vector.broadcast %add3A_931 : i32 to vector<16xi32>
      %add3A_933 = arith.addi %add3A_896, %add3A_932 : vector<16xi32>
      %swap3A_934 = arith.constant 320 : index
      %swap3A_935 = tpu.vector_load %arg9[%swap3A_934] {strides = array<i32>} : memref<400xi32, #tpu.memory_space<vmem>>, vector<16xi32>,
      tpu.vector_store %arg9[%swap3A_934], %add3A_933 {strides = array<i32>} : memref<400xi32, #tpu.memory_space<vmem>>, vector<16xi32>,
      %add3A_936 = arith.constant 336 : i32
      %add3A_937 = arith.addi %mul3A_40, %add3A_936 : i32
      %add3A_938 = vector.broadcast %add3A_937 : i32 to vector<16xi32>
      %add3A_939 = arith.addi %iota3A, %add3A_938 : vector<16xi32>
      %jit3A_940 = arith.constant 5 : i32
      %div3A_941 = vector.broadcast %jit3A_940 : i32 to vector<16xi32>
      %div3A_942 = arith.divsi %add3A_939, %div3A_941 : vector<16xi32>
      %sign3A_943 = arith.constant 0 : i32
      %sign3A_944 = vector.broadcast %sign3A_943 : i32 to vector<16xi32>
      %sign3A_945 = arith.cmpi sgt, %add3A_939, %sign3A_944 : vector<16xi32>
      %sign3A_946 = arith.extui %sign3A_945 : vector<16xi1> to vector<16xi32>
      %sign3A_947 = arith.constant 0 : i32
      %sign3A_948 = vector.broadcast %sign3A_947 : i32 to vector<16xi32>
      %sign3A_949 = arith.cmpi slt, %add3A_939, %sign3A_948 : vector<16xi32>
      %sign3A_950 = arith.extui %sign3A_949 : vector<16xi1> to vector<16xi32>
      %sign3A_951 = arith.subi %sign3A_946, %sign3A_950 : vector<16xi32>
      %sign3A_952 = arith.constant 0 : i32
      %sign3A_953 = arith.cmpi sgt, %jit3A_940, %sign3A_952 : i32
      %sign3A_954 = arith.extui %sign3A_953 : i1 to i32
      %sign3A_955 = arith.constant 0 : i32
      %sign3A_956 = arith.cmpi slt, %jit3A_940, %sign3A_955 : i32
      %sign3A_957 = arith.extui %sign3A_956 : i1 to i32
      %sign3A_958 = arith.subi %sign3A_954, %sign3A_957 : i32
      %ne3A_959 = vector.broadcast %sign3A_958 : i32 to vector<16xi32>
      %ne3A_960 = arith.cmpi ne, %sign3A_951, %ne3A_959 : vector<16xi32>
      %rem3A_961 = vector.broadcast %jit3A_940 : i32 to vector<16xi32>
      %rem3A_962 = arith.remsi %add3A_939, %rem3A_961 : vector<16xi32>
      %ne3A_963 = arith.constant 0 : i32
      %ne3A_964 = vector.broadcast %ne3A_963 : i32 to vector<16xi32>
      %ne3A_965 = arith.cmpi ne, %rem3A_962, %ne3A_964 : vector<16xi32>
      %and3A_966 = arith.andi %ne3A_960, %ne3A_965 : vector<16xi1>
      %sub3A_967 = arith.constant 1 : i32
      %sub3A_968 = vector.broadcast %sub3A_967 : i32 to vector<16xi32>
      %sub3A_969 = arith.subi %div3A_942, %sub3A_968 : vector<16xi32>
      %select_n3A_970 = arith.select %and3A_966, %sub3A_969, %div3A_942 : vector<16xi1>, vector<16xi32>
      %gather3A_971 = tpu.vector_load_idx %arg7[%select_n3A_970] : memref<2000xi32, #tpu.memory_space<vmem>>[vector<16xi32>], vector<16xi32>,
      %swap3A_972 = arith.constant 336 : index
      %swap3A_973 = tpu.vector_load %arg8[%swap3A_972] {strides = array<i32>} : memref<400xi32, #tpu.memory_space<vmem>>, vector<16xi32>,
      tpu.vector_store %arg8[%swap3A_972], %gather3A_971 {strides = array<i32>} : memref<400xi32, #tpu.memory_space<vmem>>, vector<16xi32>,
      %add3A_974 = arith.constant 10000 : i32
      %add3A_975 = vector.broadcast %add3A_974 : i32 to vector<16xi32>
      %add3A_976 = arith.addi %add3A_939, %add3A_975 : vector<16xi32>
      %swap3A_977 = arith.constant 336 : index
      %swap3A_978 = tpu.vector_load %arg9[%swap3A_977] {strides = array<i32>} : memref<400xi32, #tpu.memory_space<vmem>>, vector<16xi32>,
      tpu.vector_store %arg9[%swap3A_977], %add3A_976 {strides = array<i32>} : memref<400xi32, #tpu.memory_space<vmem>>, vector<16xi32>,
      %add3A_979 = arith.constant 352 : i32
      %add3A_980 = arith.addi %mul3A_40, %add3A_979 : i32
      %add3A_981 = vector.broadcast %add3A_980 : i32 to vector<16xi32>
      %add3A_982 = arith.addi %iota3A, %add3A_981 : vector<16xi32>
      %jit3A_983 = arith.constant 5 : i32
      %div3A_984 = vector.broadcast %jit3A_983 : i32 to vector<16xi32>
      %div3A_985 = arith.divsi %add3A_982, %div3A_984 : vector<16xi32>
      %sign3A_986 = arith.constant 0 : i32
      %sign3A_987 = vector.broadcast %sign3A_986 : i32 to vector<16xi32>
      %sign3A_988 = arith.cmpi sgt, %add3A_982, %sign3A_987 : vector<16xi32>
      %sign3A_989 = arith.extui %sign3A_988 : vector<16xi1> to vector<16xi32>
      %sign3A_990 = arith.constant 0 : i32
      %sign3A_991 = vector.broadcast %sign3A_990 : i32 to vector<16xi32>
      %sign3A_992 = arith.cmpi slt, %add3A_982, %sign3A_991 : vector<16xi32>
      %sign3A_993 = arith.extui %sign3A_992 : vector<16xi1> to vector<16xi32>
      %sign3A_994 = arith.subi %sign3A_989, %sign3A_993 : vector<16xi32>
      %sign3A_995 = arith.constant 0 : i32
      %sign3A_996 = arith.cmpi sgt, %jit3A_983, %sign3A_995 : i32
      %sign3A_997 = arith.extui %sign3A_996 : i1 to i32
      %sign3A_998 = arith.constant 0 : i32
      %sign3A_999 = arith.cmpi slt, %jit3A_983, %sign3A_998 : i32
      %sign3A_1000 = arith.extui %sign3A_999 : i1 to i32
      %sign3A_1001 = arith.subi %sign3A_997, %sign3A_1000 : i32
      %ne3A_1002 = vector.broadcast %sign3A_1001 : i32 to vector<16xi32>
      %ne3A_1003 = arith.cmpi ne, %sign3A_994, %ne3A_1002 : vector<16xi32>
      %rem3A_1004 = vector.broadcast %jit3A_983 : i32 to vector<16xi32>
      %rem3A_1005 = arith.remsi %add3A_982, %rem3A_1004 : vector<16xi32>
      %ne3A_1006 = arith.constant 0 : i32
      %ne3A_1007 = vector.broadcast %ne3A_1006 : i32 to vector<16xi32>
      %ne3A_1008 = arith.cmpi ne, %rem3A_1005, %ne3A_1007 : vector<16xi32>
      %and3A_1009 = arith.andi %ne3A_1003, %ne3A_1008 : vector<16xi1>
      %sub3A_1010 = arith.constant 1 : i32
      %sub3A_1011 = vector.broadcast %sub3A_1010 : i32 to vector<16xi32>
      %sub3A_1012 = arith.subi %div3A_985, %sub3A_1011 : vector<16xi32>
      %select_n3A_1013 = arith.select %and3A_1009, %sub3A_1012, %div3A_985 : vector<16xi1>, vector<16xi32>
      %gather3A_1014 = tpu.vector_load_idx %arg7[%select_n3A_1013] : memref<2000xi32, #tpu.memory_space<vmem>>[vector<16xi32>], vector<16xi32>,
      %swap3A_1015 = arith.constant 352 : index
      %swap3A_1016 = tpu.vector_load %arg8[%swap3A_1015] {strides = array<i32>} : memref<400xi32, #tpu.memory_space<vmem>>, vector<16xi32>,
      tpu.vector_store %arg8[%swap3A_1015], %gather3A_1014 {strides = array<i32>} : memref<400xi32, #tpu.memory_space<vmem>>, vector<16xi32>,
      %add3A_1017 = arith.constant 10000 : i32
      %add3A_1018 = vector.broadcast %add3A_1017 : i32 to vector<16xi32>
      %add3A_1019 = arith.addi %add3A_982, %add3A_1018 : vector<16xi32>
      %swap3A_1020 = arith.constant 352 : index
      %swap3A_1021 = tpu.vector_load %arg9[%swap3A_1020] {strides = array<i32>} : memref<400xi32, #tpu.memory_space<vmem>>, vector<16xi32>,
      tpu.vector_store %arg9[%swap3A_1020], %add3A_1019 {strides = array<i32>} : memref<400xi32, #tpu.memory_space<vmem>>, vector<16xi32>,
      %add3A_1022 = arith.constant 368 : i32
      %add3A_1023 = arith.addi %mul3A_40, %add3A_1022 : i32
      %add3A_1024 = vector.broadcast %add3A_1023 : i32 to vector<16xi32>
      %add3A_1025 = arith.addi %iota3A, %add3A_1024 : vector<16xi32>
      %jit3A_1026 = arith.constant 5 : i32
      %div3A_1027 = vector.broadcast %jit3A_1026 : i32 to vector<16xi32>
      %div3A_1028 = arith.divsi %add3A_1025, %div3A_1027 : vector<16xi32>
      %sign3A_1029 = arith.constant 0 : i32
      %sign3A_1030 = vector.broadcast %sign3A_1029 : i32 to vector<16xi32>
      %sign3A_1031 = arith.cmpi sgt, %add3A_1025, %sign3A_1030 : vector<16xi32>
      %sign3A_1032 = arith.extui %sign3A_1031 : vector<16xi1> to vector<16xi32>
      %sign3A_1033 = arith.constant 0 : i32
      %sign3A_1034 = vector.broadcast %sign3A_1033 : i32 to vector<16xi32>
      %sign3A_1035 = arith.cmpi slt, %add3A_1025, %sign3A_1034 : vector<16xi32>
      %sign3A_1036 = arith.extui %sign3A_1035 : vector<16xi1> to vector<16xi32>
      %sign3A_1037 = arith.subi %sign3A_1032, %sign3A_1036 : vector<16xi32>
      %sign3A_1038 = arith.constant 0 : i32
      %sign3A_1039 = arith.cmpi sgt, %jit3A_1026, %sign3A_1038 : i32
      %sign3A_1040 = arith.extui %sign3A_1039 : i1 to i32
      %sign3A_1041 = arith.constant 0 : i32
      %sign3A_1042 = arith.cmpi slt, %jit3A_1026, %sign3A_1041 : i32
      %sign3A_1043 = arith.extui %sign3A_1042 : i1 to i32
      %sign3A_1044 = arith.subi %sign3A_1040, %sign3A_1043 : i32
      %ne3A_1045 = vector.broadcast %sign3A_1044 : i32 to vector<16xi32>
      %ne3A_1046 = arith.cmpi ne, %sign3A_1037, %ne3A_1045 : vector<16xi32>
      %rem3A_1047 = vector.broadcast %jit3A_1026 : i32 to vector<16xi32>
      %rem3A_1048 = arith.remsi %add3A_1025, %rem3A_1047 : vector<16xi32>
      %ne3A_1049 = arith.constant 0 : i32
      %ne3A_1050 = vector.broadcast %ne3A_1049 : i32 to vector<16xi32>
      %ne3A_1051 = arith.cmpi ne, %rem3A_1048, %ne3A_1050 : vector<16xi32>
      %and3A_1052 = arith.andi %ne3A_1046, %ne3A_1051 : vector<16xi1>
      %sub3A_1053 = arith.constant 1 : i32
      %sub3A_1054 = vector.broadcast %sub3A_1053 : i32 to vector<16xi32>
      %sub3A_1055 = arith.subi %div3A_1028, %sub3A_1054 : vector<16xi32>
      %select_n3A_1056 = arith.select %and3A_1052, %sub3A_1055, %div3A_1028 : vector<16xi1>, vector<16xi32>
      %gather3A_1057 = tpu.vector_load_idx %arg7[%select_n3A_1056] : memref<2000xi32, #tpu.memory_space<vmem>>[vector<16xi32>], vector<16xi32>,
      %swap3A_1058 = arith.constant 368 : index
      %swap3A_1059 = tpu.vector_load %arg8[%swap3A_1058] {strides = array<i32>} : memref<400xi32, #tpu.memory_space<vmem>>, vector<16xi32>,
      tpu.vector_store %arg8[%swap3A_1058], %gather3A_1057 {strides = array<i32>} : memref<400xi32, #tpu.memory_space<vmem>>, vector<16xi32>,
      %add3A_1060 = arith.constant 10000 : i32
      %add3A_1061 = vector.broadcast %add3A_1060 : i32 to vector<16xi32>
      %add3A_1062 = arith.addi %add3A_1025, %add3A_1061 : vector<16xi32>
      %swap3A_1063 = arith.constant 368 : index
      %swap3A_1064 = tpu.vector_load %arg9[%swap3A_1063] {strides = array<i32>} : memref<400xi32, #tpu.memory_space<vmem>>, vector<16xi32>,
      tpu.vector_store %arg9[%swap3A_1063], %add3A_1062 {strides = array<i32>} : memref<400xi32, #tpu.memory_space<vmem>>, vector<16xi32>,
      %add3A_1065 = arith.constant 384 : i32
      %add3A_1066 = arith.addi %mul3A_40, %add3A_1065 : i32
      %add3A_1067 = vector.broadcast %add3A_1066 : i32 to vector<16xi32>
      %add3A_1068 = arith.addi %iota3A, %add3A_1067 : vector<16xi32>
      %jit3A_1069 = arith.constant 5 : i32
      %div3A_1070 = vector.broadcast %jit3A_1069 : i32 to vector<16xi32>
      %div3A_1071 = arith.divsi %add3A_1068, %div3A_1070 : vector<16xi32>
      %sign3A_1072 = arith.constant 0 : i32
      %sign3A_1073 = vector.broadcast %sign3A_1072 : i32 to vector<16xi32>
      %sign3A_1074 = arith.cmpi sgt, %add3A_1068, %sign3A_1073 : vector<16xi32>
      %sign3A_1075 = arith.extui %sign3A_1074 : vector<16xi1> to vector<16xi32>
      %sign3A_1076 = arith.constant 0 : i32
      %sign3A_1077 = vector.broadcast %sign3A_1076 : i32 to vector<16xi32>
      %sign3A_1078 = arith.cmpi slt, %add3A_1068, %sign3A_1077 : vector<16xi32>
      %sign3A_1079 = arith.extui %sign3A_1078 : vector<16xi1> to vector<16xi32>
      %sign3A_1080 = arith.subi %sign3A_1075, %sign3A_1079 : vector<16xi32>
      %sign3A_1081 = arith.constant 0 : i32
      %sign3A_1082 = arith.cmpi sgt, %jit3A_1069, %sign3A_1081 : i32
      %sign3A_1083 = arith.extui %sign3A_1082 : i1 to i32
      %sign3A_1084 = arith.constant 0 : i32
      %sign3A_1085 = arith.cmpi slt, %jit3A_1069, %sign3A_1084 : i32
      %sign3A_1086 = arith.extui %sign3A_1085 : i1 to i32
      %sign3A_1087 = arith.subi %sign3A_1083, %sign3A_1086 : i32
      %ne3A_1088 = vector.broadcast %sign3A_1087 : i32 to vector<16xi32>
      %ne3A_1089 = arith.cmpi ne, %sign3A_1080, %ne3A_1088 : vector<16xi32>
      %rem3A_1090 = vector.broadcast %jit3A_1069 : i32 to vector<16xi32>
      %rem3A_1091 = arith.remsi %add3A_1068, %rem3A_1090 : vector<16xi32>
      %ne3A_1092 = arith.constant 0 : i32
      %ne3A_1093 = vector.broadcast %ne3A_1092 : i32 to vector<16xi32>
      %ne3A_1094 = arith.cmpi ne, %rem3A_1091, %ne3A_1093 : vector<16xi32>
      %and3A_1095 = arith.andi %ne3A_1089, %ne3A_1094 : vector<16xi1>
      %sub3A_1096 = arith.constant 1 : i32
      %sub3A_1097 = vector.broadcast %sub3A_1096 : i32 to vector<16xi32>
      %sub3A_1098 = arith.subi %div3A_1071, %sub3A_1097 : vector<16xi32>
      %select_n3A_1099 = arith.select %and3A_1095, %sub3A_1098, %div3A_1071 : vector<16xi1>, vector<16xi32>
      %gather3A_1100 = tpu.vector_load_idx %arg7[%select_n3A_1099] : memref<2000xi32, #tpu.memory_space<vmem>>[vector<16xi32>], vector<16xi32>,
      %swap3A_1101 = arith.constant 384 : index
      %swap3A_1102 = tpu.vector_load %arg8[%swap3A_1101] {strides = array<i32>} : memref<400xi32, #tpu.memory_space<vmem>>, vector<16xi32>,
      tpu.vector_store %arg8[%swap3A_1101], %gather3A_1100 {strides = array<i32>} : memref<400xi32, #tpu.memory_space<vmem>>, vector<16xi32>,
      %add3A_1103 = arith.constant 10000 : i32
      %add3A_1104 = vector.broadcast %add3A_1103 : i32 to vector<16xi32>
      %add3A_1105 = arith.addi %add3A_1068, %add3A_1104 : vector<16xi32>
      %swap3A_1106 = arith.constant 384 : index
      %swap3A_1107 = tpu.vector_load %arg9[%swap3A_1106] {strides = array<i32>} : memref<400xi32, #tpu.memory_space<vmem>>, vector<16xi32>,
      tpu.vector_store %arg9[%swap3A_1106], %add3A_1105 {strides = array<i32>} : memref<400xi32, #tpu.memory_space<vmem>>, vector<16xi32>,
      %add3A_1108 = arith.constant 320000 : i32
      %add3A_1109 = arith.addi %add3A_1108, %mul3A_40 : i32
      "tpu.region"() ({
        %run_scoped3A = tpu.sem_alloc : memref<!tpu.dma_semaphore, #tpu.memory_space<semaphore_mem>>
        %dma_start3A_1112 = tpu.memref_slice %arg4[%add3A_1109] : memref<660000xi32, #tpu.memory_space<hbm>> -> memref<400xi32, #tpu.memory_space<hbm>>
        %dma_start3A_1113 = tpu.memref_slice %arg4[%add3A_1109] : memref<660000xi32, #tpu.memory_space<hbm>> -> memref<400xi32, #tpu.memory_space<hbm>>
        tpu.enqueue_dma source(%arg8 : memref<400xi32, #tpu.memory_space<vmem>>) target(%dma_start3A_1113 : memref<400xi32, #tpu.memory_space<hbm>>) target_semaphore(%run_scoped3A : memref<!tpu.dma_semaphore, #tpu.memory_space<semaphore_mem>>)
        %dma_wait3A_1114 = tpu.memref_slice %arg4[%add3A_1109] : memref<660000xi32, #tpu.memory_space<hbm>> -> memref<400xi32, #tpu.memory_space<hbm>>
        %dma_wait3A_1115 = tpu.memref_slice %arg4[%add3A_1109] : memref<660000xi32, #tpu.memory_space<hbm>> -> memref<400xi32, #tpu.memory_space<hbm>>
        tpu.wait_dma2 semaphore(%run_scoped3A : memref<!tpu.dma_semaphore, #tpu.memory_space<semaphore_mem>>) src(%arg8 : memref<400xi32, #tpu.memory_space<vmem>>) dst(%dma_wait3A_1115 : memref<400xi32, #tpu.memory_space<hbm>>)
        tpu.yield
      }) : () -> ()
      %add3A_1110 = arith.constant 650000 : i32
      %add3A_1111 = arith.addi %add3A_1110, %mul3A_40 : i32
      "tpu.region"() ({
        %run_scoped3A = tpu.sem_alloc : memref<!tpu.dma_semaphore, #tpu.memory_space<semaphore_mem>>
        %dma_start3A_1112 = tpu.memref_slice %arg4[%add3A_1111] : memref<660000xi32, #tpu.memory_space<hbm>> -> memref<400xi32, #tpu.memory_space<hbm>>
        %dma_start3A_1113 = tpu.memref_slice %arg4[%add3A_1111] : memref<660000xi32, #tpu.memory_space<hbm>> -> memref<400xi32, #tpu.memory_space<hbm>>
        tpu.enqueue_dma source(%arg9 : memref<400xi32, #tpu.memory_space<vmem>>) target(%dma_start3A_1113 : memref<400xi32, #tpu.memory_space<hbm>>) target_semaphore(%run_scoped3A : memref<!tpu.dma_semaphore, #tpu.memory_space<semaphore_mem>>)
        %dma_wait3A_1114 = tpu.memref_slice %arg4[%add3A_1111] : memref<660000xi32, #tpu.memory_space<hbm>> -> memref<400xi32, #tpu.memory_space<hbm>>
        %dma_wait3A_1115 = tpu.memref_slice %arg4[%add3A_1111] : memref<660000xi32, #tpu.memory_space<hbm>> -> memref<400xi32, #tpu.memory_space<hbm>>
        tpu.wait_dma2 semaphore(%run_scoped3A : memref<!tpu.dma_semaphore, #tpu.memory_space<semaphore_mem>>) src(%arg9 : memref<400xi32, #tpu.memory_space<vmem>>) dst(%dma_wait3A_1115 : memref<400xi32, #tpu.memory_space<hbm>>)
        tpu.yield
      }) : () -> ()
    } else {
    }
    %dma_wait3A = tpu.memref_slice %arg2[%mul3A_6] : memref<640000xi32, #tpu.memory_space<hbm>> -> memref<10000xi32, #tpu.memory_space<hbm>>
    %dma_wait3A_28 = tpu.memref_slice %arg2[%mul3A_6] : memref<640000xi32, #tpu.memory_space<hbm>> -> memref<10000xi32, #tpu.memory_space<hbm>>
    tpu.wait_dma2 semaphore(%arg10 : memref<!tpu.dma_semaphore, #tpu.memory_space<semaphore_mem>>) src(%dma_wait3A_28 : memref<10000xi32, #tpu.memory_space<hbm>>) dst(%arg5 : memref<10000xi32, #tpu.memory_space<vmem>>)
    %dma_start3A_29 = tpu.memref_slice %arg4[%add3A_9] : memref<660000xi32, #tpu.memory_space<hbm>> -> memref<10000xi32, #tpu.memory_space<hbm>>
    %dma_start3A_30 = tpu.memref_slice %arg4[%add3A_9] : memref<660000xi32, #tpu.memory_space<hbm>> -> memref<10000xi32, #tpu.memory_space<hbm>>
    tpu.enqueue_dma source(%arg5 : memref<10000xi32, #tpu.memory_space<vmem>>) target(%dma_start3A_30 : memref<10000xi32, #tpu.memory_space<hbm>>) target_semaphore(%arg12 : memref<!tpu.dma_semaphore, #tpu.memory_space<semaphore_mem>>)
    %dma_wait3A_31 = tpu.memref_slice %arg2[%mul3A_15] : memref<640000xi32, #tpu.memory_space<hbm>> -> memref<10000xi32, #tpu.memory_space<hbm>>
    %dma_wait3A_32 = tpu.memref_slice %arg2[%mul3A_15] : memref<640000xi32, #tpu.memory_space<hbm>> -> memref<10000xi32, #tpu.memory_space<hbm>>
    tpu.wait_dma2 semaphore(%arg11 : memref<!tpu.dma_semaphore, #tpu.memory_space<semaphore_mem>>) src(%dma_wait3A_32 : memref<10000xi32, #tpu.memory_space<hbm>>) dst(%arg6 : memref<10000xi32, #tpu.memory_space<vmem>>)
    %dma_start3A_33 = tpu.memref_slice %arg4[%add3A_21] : memref<660000xi32, #tpu.memory_space<hbm>> -> memref<10000xi32, #tpu.memory_space<hbm>>
    %dma_start3A_34 = tpu.memref_slice %arg4[%add3A_21] : memref<660000xi32, #tpu.memory_space<hbm>> -> memref<10000xi32, #tpu.memory_space<hbm>>
    tpu.enqueue_dma source(%arg6 : memref<10000xi32, #tpu.memory_space<vmem>>) target(%dma_start3A_34 : memref<10000xi32, #tpu.memory_space<hbm>>) target_semaphore(%arg13 : memref<!tpu.dma_semaphore, #tpu.memory_space<semaphore_mem>>)
    %dma_wait3A_35 = tpu.memref_slice %arg4[%add3A_9] : memref<660000xi32, #tpu.memory_space<hbm>> -> memref<10000xi32, #tpu.memory_space<hbm>>
    %dma_wait3A_36 = tpu.memref_slice %arg4[%add3A_9] : memref<660000xi32, #tpu.memory_space<hbm>> -> memref<10000xi32, #tpu.memory_space<hbm>>
    tpu.wait_dma2 semaphore(%arg12 : memref<!tpu.dma_semaphore, #tpu.memory_space<semaphore_mem>>) src(%arg5 : memref<10000xi32, #tpu.memory_space<vmem>>) dst(%dma_wait3A_36 : memref<10000xi32, #tpu.memory_space<hbm>>)
    %dma_wait3A_37 = tpu.memref_slice %arg4[%add3A_21] : memref<660000xi32, #tpu.memory_space<hbm>> -> memref<10000xi32, #tpu.memory_space<hbm>>
    %dma_wait3A_38 = tpu.memref_slice %arg4[%add3A_21] : memref<660000xi32, #tpu.memory_space<hbm>> -> memref<10000xi32, #tpu.memory_space<hbm>>
    tpu.wait_dma2 semaphore(%arg13 : memref<!tpu.dma_semaphore, #tpu.memory_space<semaphore_mem>>) src(%arg6 : memref<10000xi32, #tpu.memory_space<vmem>>) dst(%dma_wait3A_38 : memref<10000xi32, #tpu.memory_space<hbm>>)
    return
  }
}

module attributes {stable_mosaic.version = 14 : i64} {
  func.func @body(%arg0: i32, %arg1: memref<10000x128xf32, #tpu.memory_space<vmem>>, %arg2: memref<10000x128xf32, #tpu.memory_space<vmem>>, %arg3: memref<10000x128xf32, #tpu.memory_space<vmem>>) attributes {dimension_semantics = [#tpu.dimension_semantics<arbitrary>], iteration_bounds = array<i64: 2>, scalar_prefetch = 0 : i64, scratch_operands = 0 : i64, tpu.core_type = #tpu.core_type<tc>, window_params = [{transform_indices = @transform_0, window_bounds = array<i64: 10000, 128>}, {transform_indices = @transform_1, window_bounds = array<i64: 10000, 128>}, {transform_indices = @transform_2, window_bounds = array<i64: 10000, 128>}]} {
    %lt3A = arith.constant 1 : i32
    %lt3A_0 = arith.cmpi slt, %arg0, %lt3A : i32
    %convert_element_type3A = arith.extui %lt3A_0 : i1 to i32
    %cond3A = arith.constant 0 : i32
    %cond3A_1 = arith.cmpi ne, %convert_element_type3A, %cond3A : i32
    scf.if %cond3A_1 {
      %get3A = arith.constant 0 : index
      %get3A_6 = arith.constant 0 : index
      %get3A_7 = vector.load %arg1[%get3A, %get3A_6] : memref<10000x128xf32, #tpu.memory_space<vmem>>, vector<10000x128xf32>
      %swap3A = arith.constant 0 : index
      %swap3A_8 = arith.constant 0 : index
      %swap3A_9 = vector.load %arg3[%swap3A, %swap3A_8] : memref<10000x128xf32, #tpu.memory_space<vmem>>, vector<10000x128xf32>
      tpu.vector_store %arg3[%swap3A, %swap3A_8], %get3A_7 {strides = array<i32>} : memref<10000x128xf32, #tpu.memory_space<vmem>>, vector<10000x128xf32>,
    } else {
    }
    %ge3A = arith.constant 1 : i32
    %ge3A_2 = arith.cmpi sge, %arg0, %ge3A : i32
    %convert_element_type3A_3 = arith.extui %ge3A_2 : i1 to i32
    %cond3A_4 = arith.constant 0 : i32
    %cond3A_5 = arith.cmpi ne, %convert_element_type3A_3, %cond3A_4 : i32
    scf.if %cond3A_5 {
      %get3A = arith.constant 0 : index
      %get3A_6 = arith.constant 0 : index
      %get3A_7 = vector.load %arg2[%get3A, %get3A_6] : memref<10000x128xf32, #tpu.memory_space<vmem>>, vector<10000x128xf32>
      %swap3A = arith.constant 0 : index
      %swap3A_8 = arith.constant 0 : index
      %swap3A_9 = vector.load %arg3[%swap3A, %swap3A_8] : memref<10000x128xf32, #tpu.memory_space<vmem>>, vector<10000x128xf32>
      tpu.vector_store %arg3[%swap3A, %swap3A_8], %get3A_7 {strides = array<i32>} : memref<10000x128xf32, #tpu.memory_space<vmem>>, vector<10000x128xf32>,
    } else {
    }
    return
  }
  func.func @transform_0(%arg0: i32) -> (i32, i32) {
    %lt3A = arith.constant 1 : i32
    %lt3A_0 = arith.cmpi slt, %arg0, %lt3A : i32
    %jit3A = arith.constant 0 : i32
    %select_n3A = arith.select %lt3A_0, %arg0, %jit3A : i32
    %c0_i32 = arith.constant 0 : i32
    %c0_i32_1 = arith.constant 0 : i32
    return %select_n3A, %c0_i32 : i32, i32
  }
  func.func @transform_1(%arg0: i32) -> (i32, i32) {
    %lt3A = arith.constant 1 : i32
    %lt3A_0 = arith.cmpi slt, %arg0, %lt3A : i32
    %sub3A = arith.constant 1 : i32
    %sub3A_1 = arith.subi %arg0, %sub3A : i32
    %jit3A = arith.constant 0 : i32
    %select_n3A = arith.select %lt3A_0, %jit3A, %sub3A_1 : i32
    %c0_i32 = arith.constant 0 : i32
    %c0_i32_2 = arith.constant 0 : i32
    return %select_n3A, %c0_i32 : i32, i32
  }
  func.func @transform_2(%arg0: i32) -> (i32, i32) {
    %c0_i32 = arith.constant 0 : i32
    %c0_i32_0 = arith.constant 0 : i32
    return %arg0, %c0_i32 : i32, i32
  }
}

</mosaic_0001>

<sc_bundles>
// kernel: kernel.4.cloned.1.call-start
scs
__scs_entry_jumppad:
0x0: {  	(pc) =	sbr.rel $0x88, $3  }
0x1: {  	(tag) =	ssettag $0x0;
	lr =	simm.s32 $0x1  }
0x2: {  	[smem:$0x3F9D] =	sst lr;
	_ =	strace $0xD0000000  }
0x3: {  	_ = 	snop  }
0x4: {  	_ = 	snop  }
0x5: {  	_ = 	snop  }
0x6: {  	_ = 	snop  }
0x7: {  	_ = 	snop  }
__scs_overlays_trampoline_lowered:
0x8: {  	[smem:$0x3FAC] =	sst s0  }
0x9: {  	[smem:$0x3FAD] =	sst s1  }
0xa: {  	[smem:$0x3FAE] =	sst s2  }
0xb: {  	[smem:$0x3FAF] =	sst s3  }
0xc: {  	[smem:$0x3FB0] =	sst s4  }
0xd: {  	[smem:$0x3FB1] =	sst s5  }
0xe: {  	[smem:$0x3FB2] =	sst s6  }
0xf: {  	[smem:$0x3FB3] =	sst s7  }
0x10: {  	[smem:$0x3FB4] =	sst s8  }
0x11: {  	[smem:$0x3FB5] =	sst s9;
	s0 =	simm.s32 @!p0 $0x0  }
0x12: {  	s1 =	sld [smem:$0x3F9B];
	s0 =	simm.s32 @p0 $0x1  }
0x13: {  	[smem:$0x3FB6] =	sst s0;
	s0 =	simm.s32 @!p1 $0x0  }
0x14: {  	s2 =	sld [smem:$0x3F9A];
	s0 =	simm.s32 @p1 $0x1  }
0x15: {  	[smem:$0x3FB7] =	sst s0;
	s0 =	simm.s32 @!p2 $0x0  }
0x16: {  	s3 =	sld [smem:$0x3FDB];
	s0 =	simm.s32 @p2 $0x1  }
0x17: {  	s4 =	simm.s32 $0x1BF5;
	[smem:$0x3FB9] =	sst s0  }
0x18: {  	s0 =	sld [smem:$0x3F9C];
	_ =	swait.ge [sflag:s4], $0x0  }
0x19: {  	s7 =	sld [smem:$0x3F9D]  }
0x1a: {  	s8 =	sadd.s32 $0xFFFFE003, lr  }
0x1b: {  	s9 =	sadd.s32 $0xFFFFFEF7, lr;
	s5 =	simm.s32 $0xFFFFFFFF;
	p2 =	slt.u32 s8, $0xFFFFF086  }
0x1c: {  	p1 =	slt.u32 s9, $0xF7A;
	s5 =	simm.s32 @!p2 $0x0  }
0x1d: {  	s5 =	simm.s32 @p1 $0x1;
	p0 =	seq.s32 s7, s2  }
0x1e: {  	s7 =	smul.u32 @!p0 $0xF7A, s2;
	p2 =	seq.s32 @!p0 s5, $0x0  }
0x1f: {  	s9 =	smul.u32 $0xF7A, s1;
	s8 =	simm.s32 @!p0 $0x1BF5;
	p2 =	por !p2, p0  }
0x20: {  	[sflag:s8] =	ssyncset.s32 @!p0 $0xFFFFF086;
	s6 =	sadd.s32 @!p0 s3, s7;
	s7 =	simm.s32 @!p0 $0x108  }
0x21: {  	s3 =	sadd.s32 s3, s9;
	s6 =	sadd.s32 @!p0 $0x88, s6;
	s7 =	simm.s32 @p2 $0x1082  }
0x22: {  	[simem:s7], [sflag:s8] =	dma.local @!p0 [hbm:s6], $0xF7A  }
0x23: {  	s9 =	sor.u32 $0xD0000000, s2;
	s6 =	simm.s32 $0x108;
	_ =	swait.ge @!p0 [sflag:s8], $0x0  }
0x24: {  	s3 =	sadd.s32 $0x88, s3;
	s6 =	simm.s32 @!p1 $0x1082;
	[sflag:s4] =	ssyncset.s32 $0xFFFFF086  }
0x25: {  	[simem:s6], [sflag:s4] =	dma.local [hbm:s3], $0xF7A  }
0x26: {  	[smem:$0x3F9D] =	sst s1;
	(tag) =	ssettag s2;
	_ =	strace s9  }
0x27: {  	s1 =	sld [smem:$0x3FAD]  }
0x28: {  	s2 =	sld [smem:$0x3FAE]  }
0x29: {  	s4 =	sld [smem:$0x3FB0]  }
0x2a: {  	p0 =	seq.s32 s5, $0x0;
	s5 =	sld [smem:$0x3FB1]  }
0x2b: {  	s6 =	sld [smem:$0x3FB2]  }
0x2c: {  	s7 =	sld [smem:$0x3FB3]  }
0x2d: {  	s3 =	simm.s32 $0x108;
	s8 =	sld [smem:$0x3FB4]  }
0x2e: {  	s3 =	simm.s32 @!p0 $0x1082;
	s9 =	sld [smem:$0x3FB5]  }
0x2f: {  	lr =	sadd.s32 s0, s3;
	s0 =	sld [smem:$0x3FAC]  }
0x30: {  	s3 =	sld [smem:$0x3FAF]  }
0x31: {  	[smem:$0x3FB8] =	sst s10  }
0x32: {  	s10 =	sld [smem:$0x3FB6];
	_ =	sdelay $0x3  }
0x33: {  	p0 =	seq.s32 s10, $0x1;
	s10 =	sld [smem:$0x3FB8];
	_ =	sdelay $0x3  }
0x34: {  	[smem:$0x3FB8] =	sst s10  }
0x35: {  	s10 =	sld [smem:$0x3FB7];
	_ =	sdelay $0x3  }
0x36: {  	p1 =	seq.s32 s10, $0x1;
	s10 =	sld [smem:$0x3FB8];
	_ =	sdelay $0x3  }
0x37: {  	[smem:$0x3FB8] =	sst s10  }
0x38: {  	s10 =	sld [smem:$0x3FB9]  }
0x39: {  	_ = 	snop;
	(pc) =	sbr.ind lr, $3  }
0x3a: {  	_ = 	snop  }
0x3b: {  	_ = 	snop  }
0x3c: {  	p2 =	seq.s32 s10, $0x1;
	s10 =	sld [smem:$0x3FB8]  }
0x3d: {  	_ =	shalt  }
0x3e: {  	_ =	shalt  }
0x3f: {  	_ =	shalt  }
0x40: {  	_ =	shalt  }
0x41: {  	_ =	shalt  }
0x42: {  	_ =	shalt  }
0x43: {  	_ =	shalt  }
0x44: {  	_ =	shalt  }
0x45: {  	_ =	shalt  }
0x46: {  	_ =	shalt  }
0x47: {  	_ =	shalt  }
0x48: {  	_ =	shalt  }
0x49: {  	_ =	shalt  }
0x4a: {  	_ =	shalt  }
0x4b: {  	_ =	shalt  }
0x4c: {  	_ =	shalt  }
0x4d: {  	_ =	shalt  }
0x4e: {  	_ =	shalt  }
0x4f: {  	_ =	shalt  }
0x50: {  	_ =	shalt  }
0x51: {  	_ =	shalt  }
0x52: {  	_ =	shalt  }
0x53: {  	_ =	shalt  }
0x54: {  	_ =	shalt  }
0x55: {  	_ =	shalt  }
0x56: {  	_ =	shalt  }
0x57: {  	_ =	shalt  }
0x58: {  	_ =	shalt  }
0x59: {  	_ =	shalt  }
0x5a: {  	_ =	shalt  }
0x5b: {  	_ =	shalt  }
0x5c: {  	_ =	shalt  }
0x5d: {  	_ =	shalt  }
0x5e: {  	_ =	shalt  }
0x5f: {  	_ =	shalt  }
0x60: {  	_ =	shalt  }
0x61: {  	_ =	shalt  }
0x62: {  	_ =	shalt  }
0x63: {  	_ =	shalt  }
0x64: {  	_ =	shalt  }
0x65: {  	_ =	shalt  }
0x66: {  	_ =	shalt  }
0x67: {  	_ =	shalt  }
0x68: {  	_ =	shalt  }
0x69: {  	_ =	shalt  }
0x6a: {  	_ =	shalt  }
0x6b: {  	_ =	shalt  }
0x6c: {  	_ =	shalt  }
0x6d: {  	_ =	shalt  }
0x6e: {  	_ =	shalt  }
0x6f: {  	_ =	shalt  }
0x70: {  	_ =	shalt  }
0x71: {  	_ =	shalt  }
0x72: {  	_ =	shalt  }
0x73: {  	_ =	shalt  }
0x74: {  	_ =	shalt  }
0x75: {  	_ =	shalt  }
0x76: {  	_ =	shalt  }
0x77: {  	_ =	shalt  }
0x78: {  	_ =	shalt  }
0x79: {  	_ =	shalt  }
0x7a: {  	_ =	shalt  }
0x7b: {  	_ =	shalt  }
0x7c: {  	_ =	shalt  }
0x7d: {  	_ =	shalt  }
0x7e: {  	_ =	shalt  }
0x7f: {  	_ =	shalt  }
0x80: {  	_ =	shalt  }
0x81: {  	_ =	shalt  }
0x82: {  	_ =	shalt  }
0x83: {  	_ =	shalt  }
0x84: {  	_ =	shalt  }
0x85: {  	_ =	shalt  }
0x86: {  	_ =	shalt  }
0x87: {  	_ =	shalt  }
.Lfunc_end0:
.L_simem_size_0:
called_computation_lowered:
.L_overlay_start_0:
0x88: {  	s2 =	sld [smem:$0x3FD9]  }
0x89: {  	s3 =	sld [smem:$0x3FFE];
	_ =	sdelay $0x1  }
0x8a: {  	s1 =	srdreg.scid  }
0x8b: {  	s0 =	sand.u32 $0x1, s1  }
0x8c: {  	s14 =	sshll.u32 s0, $0xA;
	s2 =	sadd.s32 s3, s2  }
0x8d: {  	s2 =	sadd.s32 s2, s14  }
0x8e: {  	[smem:$0x3FC4] =	sst s2  }
0x8f: {  	_ = 	snop  }
0x90: {  	s2 =	sld [smem:$0x3FD0];
	_ =	sdelay $0x2  }
0x91: {  	s4 =	simm.s32 $0xA;
	s5 =	simm.s32 $0x10;
	s15 =	sld [smem:$0x3FC7]  }
0x92: {  	[smem:s5], [sflag:s4] =	dma.local [hbm:s2], $0x1  }
0x93: {  	_ =	swait.eq [sflag:s4], $0x1  }
0x94: {  	[sflag:s4] =	ssyncset.done $0x0  }
0x95: {  	[sflag:s4] =	ssyncadd.s32 $0xFFFFFFFF  }
0x96: {  	s16 =	sld [smem:$0x11];
	(tm) =	ssettm $0x1  }
0x97: {  	s17 =	sld [smem:$0x3FFB];
	_ =	sdelay $0x3  }
0x98: {  	_ =	strace s17  }
0x99: {  	s4 =	sld [smem:$0x3FFC];
	_ =	sdelay $0x3  }
0x9a: {  	_ =	strace s4  }
0x9b: {  	s4 =	sld [smem:$0x3FFD];
	_ =	sdelay $0x3  }
0x9c: {  	_ =	strace s4  }
0x9d: {  	_ =	strace $0x8FFFFFFF  }
0x9e: {  	s18 =	sld [smem:$0x3FDB];
	_ =	sdelay $0x1  }
0x9f: {  	s19 =	simm.s32 $_scs_section_size  }
0xa0: {  	s6 =	simm.s32 $_size__tile_overlayer_lowered;
	s7 =	simm.s32 $_tile_overlayer_lowered  }
0xa1: {  	s22 =	simm.s32 $0x1BFF;
	s21 =	sshll.u32 s7, $0x1;
	s4 =	sadd.s32 s19, s18  }
0xa2: {  	s8 =	simm.s32 $0x0;
	s20 =	sshll.u32 s6, $0x1;
	s6 =	sadd.s32 s21, s4  }
0xa3: {  	[timem:s8], [sflag:s22] =	dma.local [hbm:s6], s20  }
0xa4: {  	_ =	swait.ge [sflag:s22], s20  }
0xa5: {  	s5 =	ssub.s32 $0x0, s20;
	[sflag:s22] =	ssyncset.done $0x0  }
0xa6: {  	[sflag:s22] =	ssyncadd.s32 s5;
	_ =	sdelay $0x1  }
0xa7: {  	s23 =	simm.s32 $0x1B8B  }
0xa8: {  	_ =	swait.ge [sflag:s23], $0x1  }
0xa9: {  	[sflag:s23] =	ssyncset.done $0x0  }
0xaa: {  	s25 =	simm.s32 $0x1B8E;
	s24 =	sld [smem:$0x3FFE];
	[sflag:s23] =	ssyncadd.s32 $0xFFFFFFFF  }
0xab: {  	s26 =	simm.s32 $execute0_lowered;
	[smem:$0x3FD2] =	sst s25  }
0xac: {  	s6 =	sshll.u32 s26, $0x1;
	_ =	strace $0x80000046;
	[dreg:$0x1] =	wrdreg $0xFFFFFFFF  }
0xad: {  	s28 =	simm.s32 $_size_execute0_lowered;
	s4 =	sadd.s32 s4, s6;
	[dreg:$0x0] =	wrdreg $0x0  }
0xae: {  	s6 =	sshll.u32 s28, $0x1;
	[dreg:$0x2] =	wrdreg s4  }
0xaf: {  	[dreg:$0x3] =	wrdreg s6  }
0xb0: {  	[dreg:$0x4] =	wrdreg $0xC0  }
0xb1: {  	_ =	task [dreg:s8], $0x5FFFF  }
0xb2: {  	[dreg:$0x1] =	wrdreg $0xFFFFFFFF  }
0xb3: {  	[dreg:$0x0] =	wrdreg $0x60  }
0xb4: {  	[dreg:$0x2] =	wrdreg s16  }
0xb5: {  	[dreg:$0x3] =	wrdreg s15  }
0xb6: {  	[dreg:$0x4] =	wrdreg s24  }
0xb7: {  	[dreg:$0x5] =	wrdreg $0x9  }
0xb8: {  	_ =	task.clear_ibuf [dreg:s8], $0x6FFFF;
	_ =	strace $0x90000046  }
0xb9: {  	s29 =	simm.s32 $0x9;
	_ =	strace $0x80000048  }
0xba: {  	_ =	swait.ge [sflag:s29], $0x1  }
0xbb: {  	[sflag:s29] =	ssyncadd.s32 $0xFFFFFFFF  }
0xbc: {  	_ =	strace $0x90000048  }
0xbd: {  	_ =	sfence  }
0xbe: {  	s30 =	sld [smem:$0x0];
	_ =	sdelay $0x2  }
0xbf: {  	s31 =	sshll.u32 s1, $0xD;
	s1 =	sshrl.u32 s1, $0x2  }
0xc0: {  	s3 =	sand.u32 $0x4000, s31;
	s1 =	sadd.s32 s1, s30  }
0xc1: {  	s0 =	sor.u32 s3, s0;
	s1 =	sshll.u32 s1, $0x11  }
0xc2: {  	s0 =	sor.u32 s1, s0  }
0xc3: {  	s0 =	sadd.s32 $0x8F2B, s0  }
0xc4: {  	[sflag:s0] =	ssyncadd.remote.s32 $0x1  }
0xc5: {  	_ =	sfence.sel $0xFFFF  }
0xc6: {  	[dreg:$0x0] =	wrdreg $0xFFFFFFFF;
	(pc) =	sbr.abs _section_cstart, $3  }
0xc7: {  	[dreg:$0x1] =	wrdreg $0xFFFFFFFF  }
0xc8: {  	_ =	task.clear_ibuf [dreg:s8], $0x2FFFF;
	_ =	strace $0x9FFFFFFF  }
0xc9: {  	(tm) =	ssettm $0x7FFFFFFF  }
tec
execute0_lowered:
.L_overlay_start_1:
0x0: {  	(tag) =	ssettag $0x1  }
0x1: {  	s1 =	srdreg.scid;
	s0 =	stileid.u32  }
0x2: {  	s4 =	sand.u32 $0x1, s1;
	s12 =	sshll.u32 s0, $0x1  }
0x3: {  	s5 =	sor.u32 s4, s12  }
0x4: {  	s7 =	smul.u32 $0x190, s5;
	_ =	sdelay $0x1  }
0x5: {  	v40 =	vlaneseq.u32;
	s2 =	sadd.s32 $0x20, s7  }
0x6: {  	v37 =	vor.u32 $0x2710, v40;
	v0 =	vmov s7;
	s3 =	sadd.s32 $0x30, s7;
	v4 =	vor.u32 s2, v40  }
0x7: {  	s6 =	sadd.s32 $0x40, s7;
	s14 =	sadd.s32 $0x50, s7;
	v1 =	vbroadcast v0, $0x0;
	v5 =	vor.u32 s3, v40;
	v4 =	vmulhi.u32 $0xCCCCCCCD, v4  }
0x8: {  	s15 =	sadd.s32 $0x60, s7;
	s16 =	sadd.s32 $0x70, s7;
	v7 =	vor.u32 s6, v40;
	v9 =	vor.u32 s14, v40;
	v6 =	vmulhi.u32 $0xCCCCCCCD, v5  }
0x9: {  	s17 =	sadd.s32 $0x80, s7;
	s18 =	sadd.s32 $0x90, s7;
	v11 =	vor.u32 s15, v40;
	v13 =	vor.u32 s16, v40;
	v8 =	vmulhi.u32 $0xCCCCCCCD, v7  }
0xa: {  	s19 =	sadd.s32 $0xA0, s7;
	s20 =	sadd.s32 $0xB0, s7;
	v15 =	vor.u32 s17, v40;
	v17 =	vor.u32 s18, v40;
	v10 =	vmulhi.u32 $0xCCCCCCCD, v9  }
0xb: {  	s8 =	sadd.s32 $0xC0, s7;
	s10 =	sadd.s32 $0xD0, s7;
	v19 =	vor.u32 s19, v40;
	v21 =	vor.u32 s20, v40;
	v12 =	vmulhi.u32 $0xCCCCCCCD, v11  }
0xc: {  	s11 =	sadd.s32 $0xE0, s7;
	s22 =	sadd.s32 $0xF0, s7;
	v23 =	vor.u32 s8, v40;
	v25 =	vor.u32 s10, v40;
	v14 =	vmulhi.u32 $0xCCCCCCCD, v13  }
0xd: {  	s12 =	sadd.s32 $0x100, s7;
	s25 =	sadd.s32 $0x110, s7;
	v27 =	vor.u32 s11, v40;
	v29 =	vor.u32 s22, v40;
	v16 =	vmulhi.u32 $0xCCCCCCCD, v15  }
0xe: {  	s26 =	sadd.s32 $0x120, s7;
	s29 =	sadd.s32 $0x140, s7;
	v31 =	vor.u32 s12, v40;
	v33 =	vor.u32 s25, v40;
	v18 =	vmulhi.u32 $0xCCCCCCCD, v17  }
0xf: {  	v35 =	vor.u32 s26, v40;
	v41 =	vor.u32 s29, v40;
	v20 =	vmulhi.u32 $0xCCCCCCCD, v19  }
0x10: {  	v5 =	vadd.s32 s2, v37;
	v7 =	vadd.s32 s3, v37;
	v22 =	vmulhi.u32 $0xCCCCCCCD, v21  }
0x11: {  	v9 =	vadd.s32 s6, v37;
	v11 =	vadd.s32 s14, v37;
	v24 =	vmulhi.u32 $0xCCCCCCCD, v23  }
0x12: {  	v13 =	vadd.s32 s15, v37;
	v15 =	vadd.s32 s16, v37;
	v26 =	vmulhi.u32 $0xCCCCCCCD, v25  }
0x13: {  	v17 =	vadd.s32 s17, v37;
	v19 =	vadd.s32 s18, v37;
	v28 =	vmulhi.u32 $0xCCCCCCCD, v27  }
0x14: {  	v21 =	vadd.s32 s19, v37;
	v23 =	vadd.s32 s20, v37;
	v30 =	vmulhi.u32 $0xCCCCCCCD, v29  }
0x15: {  	v25 =	vadd.s32 s8, v37;
	v27 =	vadd.s32 s10, v37;
	v32 =	vmulhi.u32 $0xCCCCCCCD, v31  }
0x16: {  	v29 =	vadd.s32 s11, v37;
	v31 =	vadd.s32 s22, v37;
	v34 =	vmulhi.u32 $0xCCCCCCCD, v33  }
0x17: {  	v33 =	vadd.s32 s12, v37;
	v36 =	vmulhi.u32 $0xCCCCCCCD, v35;
	v35 =	vadd.s32 s25, v37  }
0x18: {  	s15 =	sadd.s32 $0x130, s7;
	s17 =	sadd.s32 $0x150, s7;
	v42 =	vmulhi.u32 $0xCCCCCCCD, v41;
	v0 =	vor.u32 v40, v1;
	vm0 =	veq.s32 v1, v40  }
0x19: {  	s18 =	sadd.s32 $0x160, s7;
	s19 =	sadd.s32 $0x170, s7;
	v1 =	vadd.s32 v37, v1;
	v38 =	vor.u32 s15, v40;
	v43 =	vor.u32 s17, v40  }
0x1a: {  	s20 =	sadd.s32 $0x180, s7;
	v41 =	vadd.s32 s15, v37;
	v62 =	vor.u32 s18, v40;
	v46 =	vor.u32 s19, v40  }
0x1b: {  	v63 =	vor.u32 s20, v40;
	v48 =	vadd.s32 s19, v37;
	v2 =	vmulhi.u32 $0xCCCCCCCD, v0  }
0x1c: {  	s9 =	rddreg [dreg:$0x0];
	v0 =	vsub.s32 $0x0, v0;
	v4 =	vshrl.u32 v4, $0x2;
	v6 =	vshrl.u32 v6, $0x2  }
0x1d: {  	s21 =	rddreg [dreg:$0x2];
	s4 =	ssub.s32 $0x2, s4;
	s24 =	smul.u32 $0x4E20, s5;
	v8 =	vshrl.u32 v8, $0x2;
	v10 =	vshrl.u32 v10, $0x2;
	v12 =	vshrl.u32 v12, $0x2  }
0x1e: {  	s1 =	rddreg [dreg:$0x1];
	p0 =	slt.u32 s0, $0x8;
	s23 =	sshrl.u32 s4, $0x1;
	v14 =	vshrl.u32 v14, $0x2;
	v16 =	vshrl.u32 v16, $0x2;
	v18 =	vshrl.u32 v18, $0x2  }
0x1f: {  	s13 =	sadd.s32 $0x10, s7;
	s28 =	sadd.s32 $0x2710, s24;
	s30 =	sshrl.u32 s7, $0x3;
	v20 =	vshrl.u32 v20, $0x2;
	v22 =	vshrl.u32 v22, $0x2;
	v24 =	vshrl.u32 v24, $0x2  }
0x20: {  	s2 =	rddreg [dreg:$0x3];
	s3 =	simm.s32 $0x0;
	s14 =	ssub.s32 s4, s23;
	v26 =	vshrl.u32 v26, $0x2;
	v28 =	vshrl.u32 v28, $0x2;
	v39 =	vmulhi.u32 $0xCCCCCCCD, v38  }
0x21: {  	s10 =	simm.s32 $0x0;
	s4 =	sshrl.u32 s24, $0x3;
	s11 =	sshrl.u32 s28, $0x3;
	v30 =	vshrl.u32 v30, $0x2;
	v32 =	vshrl.u32 v32, $0x2;
	v44 =	vmulhi.u32 $0xCCCCCCCD, v43  }
0x22: {  	s12 =	simm.s32 $0x4F00;
	[smem:$0x7FF] =	sst s3;
	s10 =	simm.s32 @!p0 $0x2710;
	v34 =	vshrl.u32 v34, $0x2;
	v45 =	vmulhi.u32 $0xCCCCCCCD, v62;
	v2 =	vshrl.u32 v2, $0x2  }
0x23: {  	s4 =	sadd.s32 s9, s4;
	s6 =	sadd.s32 s9, s11;
	s11 =	smax.u32 s14, $0x1;
	v36 =	vshrl.u32 v36, $0x2;
	v47 =	vmulhi.u32 $0xCCCCCCCD, v46;
	v3 =	vmul.u32 $0xFFFFFFFB, v2  }
0x24: {  	p0 =	sgt.u32 s5, $0x18;
	s5 =	simm.s32 $0x2780;
	s14 =	simm.s32 $0x5700;
	v38 =	vadd.s32 s26, v37;
	v42 =	vshrl.u32 v42, $0x2;
	v49 =	vmulhi.u32 $0xCCCCCCCD, v63  }
0x25: {  	s15 =	simm.s32 $0x5900;
	s19 =	simm.s32 $0x4;
	_ =	strace $0x80000047;
	v46 =	vadd.s32 s18, v37;
	vm1 =	vne.s32 v3, v0;
	v3 =	vor.u32 s13, v40  }
.Ltmp0:
0x26: {  	s16 =	sadd.s32 s10, s24;
	s10 =	sadd.s32 s10, s28;
	v0 =	vimm.s32 $0x0;
	vm0 =	vmand vm0, vm1;
	v3 =	vmulhi.u32 $0xCCCCCCCD, v3;
	(pc) =	sbr.rel .LBB2_1-.Ltmp0, $4  }
0x27: {  	s18 =	simm.s32 $0x3;
	s31 =	sshrl.u32 s16, $0x3;
	s10 =	sshrl.u32 s10, $0x3;
	v40 =	vshrl.u32 v44, $0x2;
	v44 =	vadd.s32 s17, v37;
	v0 =	vsel vm0, $0xFFFFFFFF, v0  }
0x28: {  	s16 =	simm.s32 $0x1;
	s17 =	simm.s32 $0x2;
	v0 =	vadd.s32 v0, v2;
	v2 =	vshrl.u32 v3, $0x2;
	v3 =	vadd.s32 s13, v37;
	s13 =	sadd.s32 $0x1400, s21  }
0x29: {  	v43 =	vadd.s32 s29, v37;
	v39 =	vshrl.u32 v39, $0x2;
	v45 =	vshrl.u32 v45, $0x2;
	s8 =	sadd.s32 s13, s30;
	s9 =	sadd.s32 s13, s31;
	s10 =	sadd.s32 s13, s10  }
0x2a: {  	v47 =	vshrl.u32 v47, $0x2;
	v49 =	vshrl.u32 v49, $0x2;
	v37 =	vadd.s32 s20, v37;
	s13 =	simm.s32 $0x5;
	s7 =	sadd.s32 $0x9C40, s8;
	s8 =	sadd.s32 $0x13D62, s8  }
.LBB2_3:
0x2b: {  	_ =	swait.ge [sflag:s16], $0x2710  }
0x2c: {  	[sflag:s16] =	ssyncset.done $0x0  }
0x2d: {  	[sflag:s16] =	ssyncadd.s32 $0xFFFFD8F0  }
0x2e: {  	[hbm4b:s9+s3] =	stream.linear.scatter [tilespmem:s3], [sflag:$0x3], $0x2710, $0x38;
	[tilespmem:$0x5B00] =	vst v63  }
0x2f: {  	_ =	swait.ge [sflag:s17], $0x2710  }
0x30: {  	[sflag:s17] =	ssyncset.done $0x0  }
0x31: {  	s11 =	sadd.s32 $0xFFFFFFFF, s11;
	[sflag:s17] =	ssyncadd.s32 $0xFFFFD8F0  }
0x32: {  	[hbm4b:s10+s3] =	stream.linear.scatter [tilespmem:s5], [sflag:$0x4], $0x2710, $0x38;
	[tilespmem:$0x5B00] =	vst v63  }
0x33: {  	p1 =	sne.s32 s11, $0x0;
	_ =	swait.ge [sflag:s18], $0x2710  }
.Ltmp1:
0x34: {  	[sflag:s18] =	ssyncset.done $0x0;
	(pc) =	sbr.rel @!p1 .LBB2_4-.Ltmp1, $4  }
0x35: {  	[sflag:s18] =	ssyncadd.s32 $0xFFFFD8F0  }
0x36: {  	_ =	swait.ge [sflag:s19], $0x2710  }
0x37: {  	[sflag:s19] =	ssyncset.done $0x0  }
0x38: {  	[sflag:s19] =	ssyncadd.s32 $0xFFFFD8F0  }
.LBB2_1:
.Ltmp2:
0x39: {  	(pc) =	sbr.rel @p0 .LBB2_3-.Ltmp2, $4  }
0x3a: {  	_ = 	snop  }
0x3b: {  	[tilespmem:s3], [sflag:$0x1] =	stream.linear.gather [hbm4b:s4+s3], $0x2710, $0x38;
	[tilespmem:$0x5B00] =	vst v63  }
0x3c: {  	_ = 	snop  }
0x3d: {  	[tilespmem:s5], [sflag:$0x2] =	stream.linear.gather [hbm4b:s6+s3], $0x2710, $0x38;
	[tilespmem:$0x5B00] =	vst v63  }
0x3e: {  	[tilespmem:s12], [sflag:$0x5] =	stream.linear.gather [hbm4b:s1+s3], $0x800, $0x38;
	[tilespmem:$0x5B00] =	vst v63  }
0x3f: {  	_ =	swait.ge [sflag:s13], $0x800  }
0x40: {  	[sflag:s13] =	ssyncset.done $0x0  }
0x41: {  	[sflag:s13] =	ssyncadd.s32 $0xFFFFF800  }
0x42: {  	v50 =	vld.idx.msk [tilespmem:v0+s12+$0x0], $0xffff;
	_ =	sdelay $0x3  }
0x43: {  	[tilespmem:$0x5900] =	vst v1  }
0x44: {  	[tilespmem:$0x5700] =	vst v50  }
0x45: {  	v50 =	vld.idx.msk [tilespmem:v2+s12+$0x0], $0xffff;
	_ =	sdelay $0x3  }
0x46: {  	[tilespmem:$0x5910] =	vst v3  }
0x47: {  	[tilespmem:$0x5710] =	vst v50  }
0x48: {  	v50 =	vld.idx.msk [tilespmem:v4+s12+$0x0], $0xffff;
	_ =	sdelay $0x3  }
0x49: {  	[tilespmem:$0x5920] =	vst v5  }
0x4a: {  	[tilespmem:$0x5720] =	vst v50  }
0x4b: {  	v50 =	vld.idx.msk [tilespmem:v6+s12+$0x0], $0xffff;
	_ =	sdelay $0x3  }
0x4c: {  	[tilespmem:$0x5930] =	vst v7  }
0x4d: {  	[tilespmem:$0x5730] =	vst v50  }
0x4e: {  	v50 =	vld.idx.msk [tilespmem:v8+s12+$0x0], $0xffff;
	_ =	sdelay $0x3  }
0x4f: {  	[tilespmem:$0x5940] =	vst v9  }
0x50: {  	[tilespmem:$0x5740] =	vst v50  }
0x51: {  	v50 =	vld.idx.msk [tilespmem:v10+s12+$0x0], $0xffff;
	_ =	sdelay $0x3  }
0x52: {  	[tilespmem:$0x5950] =	vst v11  }
0x53: {  	[tilespmem:$0x5750] =	vst v50  }
0x54: {  	v50 =	vld.idx.msk [tilespmem:v12+s12+$0x0], $0xffff;
	_ =	sdelay $0x3  }
0x55: {  	[tilespmem:$0x5960] =	vst v13  }
0x56: {  	[tilespmem:$0x5760] =	vst v50  }
0x57: {  	v50 =	vld.idx.msk [tilespmem:v14+s12+$0x0], $0xffff;
	_ =	sdelay $0x3  }
0x58: {  	[tilespmem:$0x5970] =	vst v15  }
0x59: {  	[tilespmem:$0x5770] =	vst v50  }
0x5a: {  	v50 =	vld.idx.msk [tilespmem:v16+s12+$0x0], $0xffff;
	_ =	sdelay $0x3  }
0x5b: {  	[tilespmem:$0x5980] =	vst v17  }
0x5c: {  	[tilespmem:$0x5780] =	vst v50  }
0x5d: {  	v50 =	vld.idx.msk [tilespmem:v18+s12+$0x0], $0xffff;
	_ =	sdelay $0x3  }
0x5e: {  	[tilespmem:$0x5990] =	vst v19  }
0x5f: {  	[tilespmem:$0x5790] =	vst v50  }
0x60: {  	v50 =	vld.idx.msk [tilespmem:v20+s12+$0x0], $0xffff;
	_ =	sdelay $0x3  }
0x61: {  	[tilespmem:$0x59A0] =	vst v21  }
0x62: {  	[tilespmem:$0x57A0] =	vst v50  }
0x63: {  	v50 =	vld.idx.msk [tilespmem:v22+s12+$0x0], $0xffff;
	_ =	sdelay $0x3  }
0x64: {  	[tilespmem:$0x59B0] =	vst v23  }
0x65: {  	[tilespmem:$0x57B0] =	vst v50  }
0x66: {  	v50 =	vld.idx.msk [tilespmem:v24+s12+$0x0], $0xffff;
	_ =	sdelay $0x3  }
0x67: {  	[tilespmem:$0x59C0] =	vst v25  }
0x68: {  	[tilespmem:$0x57C0] =	vst v50  }
0x69: {  	v50 =	vld.idx.msk [tilespmem:v26+s12+$0x0], $0xffff;
	_ =	sdelay $0x3  }
0x6a: {  	[tilespmem:$0x59D0] =	vst v27  }
0x6b: {  	[tilespmem:$0x57D0] =	vst v50  }
0x6c: {  	v50 =	vld.idx.msk [tilespmem:v28+s12+$0x0], $0xffff;
	_ =	sdelay $0x3  }
0x6d: {  	[tilespmem:$0x59E0] =	vst v29  }
0x6e: {  	[tilespmem:$0x57E0] =	vst v50  }
0x6f: {  	v50 =	vld.idx.msk [tilespmem:v30+s12+$0x0], $0xffff;
	_ =	sdelay $0x3  }
0x70: {  	[tilespmem:$0x59F0] =	vst v31  }
0x71: {  	[tilespmem:$0x57F0] =	vst v50  }
0x72: {  	v50 =	vld.idx.msk [tilespmem:v32+s12+$0x0], $0xffff;
	_ =	sdelay $0x3  }
0x73: {  	[tilespmem:$0x5A00] =	vst v33  }
0x74: {  	[tilespmem:$0x5800] =	vst v50  }
0x75: {  	v50 =	vld.idx.msk [tilespmem:v34+s12+$0x0], $0xffff;
	_ =	sdelay $0x3  }
0x76: {  	[tilespmem:$0x5A10] =	vst v35  }
0x77: {  	[tilespmem:$0x5810] =	vst v50  }
0x78: {  	v50 =	vld.idx.msk [tilespmem:v36+s12+$0x0], $0xffff;
	_ =	sdelay $0x3  }
0x79: {  	[tilespmem:$0x5A20] =	vst v38  }
0x7a: {  	[tilespmem:$0x5820] =	vst v50  }
0x7b: {  	v50 =	vld.idx.msk [tilespmem:v39+s12+$0x0], $0xffff;
	_ =	sdelay $0x3  }
0x7c: {  	[tilespmem:$0x5A30] =	vst v41  }
0x7d: {  	[tilespmem:$0x5830] =	vst v50  }
0x7e: {  	v50 =	vld.idx.msk [tilespmem:v42+s12+$0x0], $0xffff;
	_ =	sdelay $0x3  }
0x7f: {  	[tilespmem:$0x5A40] =	vst v43  }
0x80: {  	[tilespmem:$0x5840] =	vst v50  }
0x81: {  	v50 =	vld.idx.msk [tilespmem:v40+s12+$0x0], $0xffff;
	_ =	sdelay $0x3  }
0x82: {  	[tilespmem:$0x5A50] =	vst v44  }
0x83: {  	[tilespmem:$0x5850] =	vst v50  }
0x84: {  	v50 =	vld.idx.msk [tilespmem:v45+s12+$0x0], $0xffff;
	_ =	sdelay $0x3  }
0x85: {  	[tilespmem:$0x5A60] =	vst v46  }
0x86: {  	[tilespmem:$0x5860] =	vst v50  }
0x87: {  	v50 =	vld.idx.msk [tilespmem:v47+s12+$0x0], $0xffff;
	_ =	sdelay $0x3  }
0x88: {  	[tilespmem:$0x5A70] =	vst v48  }
0x89: {  	[tilespmem:$0x5870] =	vst v50  }
0x8a: {  	v50 =	vld.idx.msk [tilespmem:v49+s12+$0x0], $0xffff;
	_ =	sdelay $0x3  }
0x8b: {  	[tilespmem:$0x5A80] =	vst v37  }
0x8c: {  	[tilespmem:$0x5880] =	vst v50  }
0x8d: {  	[hbm4b:s7+s3] =	stream.linear.scatter [tilespmem:s14], [sflag:$0x5], $0x190, $0x38;
	[tilespmem:$0x5B00] =	vst v63  }
0x8e: {  	_ =	swait.ge [sflag:s13], $0x190  }
0x8f: {  	[sflag:s13] =	ssyncset.done $0x0  }
.Ltmp3:
0x90: {  	[sflag:s13] =	ssyncadd.s32 $0xFFFFFE70;
	(pc) =	sbr.rel .LBB2_3-.Ltmp3, $4  }
0x91: {  	[hbm4b:s8+s3] =	stream.linear.scatter [tilespmem:s15], [sflag:$0x5], $0x190, $0x38;
	[tilespmem:$0x5B00] =	vst v63  }
0x92: {  	_ =	swait.ge [sflag:s13], $0x190  }
0x93: {  	[sflag:s13] =	ssyncset.done $0x0  }
0x94: {  	[sflag:s13] =	ssyncadd.s32 $0xFFFFFE70  }
.LBB2_4:
0x95: {  	_ =	sfence.sel $0x180000  }
0x96: {  	[bflag:$0x0] =	sbarrier.arrive $0xFFFF  }
0x97: {  	p0 =	sne.s32 s0, $0x0;
	_ =	strace $0x90000047  }
0x98: {  	s0 =	sadd.s32 @!p0 $0x100000, s2;
	[bflag:$0x2] =	sbarrier.arrive $0xFFFF  }
0x99: {  	[sflag:s0] =	ssyncadd.tile.s32 @!p0 $0x1;
	_ =	shalt  }
.Lfunc_end2:
_tile_overlayer_lowered:
.L_overlay_start_2:
0x9a: {  	(tag) =	ssettag $0x2  }
0x9b: {  	s0 =	rddreg [dreg:$0x0];
	s2 =	stileid.u32  }
0x9c: {  	s1 =	rddreg [dreg:$0x1];
	p0 =	sne.s32 s2, $0x0  }
0x9d: {  	s3 =	rddreg [dreg:$0x2];
	[bflag:$0x3] =	sbarrier.arrive $0xFFFF;
	s2 =	simm.s32 @!p0 $0x1C05  }
0x9e: {  	[timem:s3], [sflag:s2] =	dma.local @!p0 [hbm:s0], s1  }
0x9f: {  	s0 =	simm.s32 @!p0 $0x5  }
0xa0: {  	_ =	swait.ge @!p0 [sflag:s0], s1  }
0xa1: {  	s1 =	ssub.s32 @!p0 $0x0, s1;
	[sflag:s0] =	ssyncset.done @!p0 $0x0  }
0xa2: {  	[sflag:s0] =	ssyncadd.s32 @!p0 s1  }
0xa3: {  	[bflag:$0x3] =	sbarrier.arrive $0xFFFF  }
0xa4: {  	_ =	shalt  }

</sc_bundles>
